<compile_context>
chip_gen: v7x
topology: tpu7x:2x2x1
jax: 0.10.2.dev20260603
libtpu: 0.0.44.dev20260713+nightly
codegen_flags: <defaults>
</compile_context>

<pallas_src>
import functools

import jax
import jax.numpy as jnp
from jax import lax
from jax.experimental import pallas as pl
from jax.experimental.pallas import tpu as pltpu
from jax.experimental.pallas import tpu_sc as plsc

B = 8
A = 261888
MP = 256
NQ = 4
CH = A // NQ
NV = CH // 16
U = 6
K = 512
GW = 128
NC = 2
NS = 16
NW = NC * NS

_mesh = plsc.VectorSubcoreMesh(
    core_axis_name="c", subcore_axis_name="s", num_cores=NC, num_subcores=NS
)


@functools.partial(
    pl.kernel,
    out_type=jax.ShapeDtypeStruct((NW * 16,), jnp.float32),
    mesh=_mesh,
    scratch_types=[
        pltpu.VMEM((CH,), jnp.int32),
        pltpu.VMEM((K,), jnp.int32),
        pltpu.VMEM((K * 4,), jnp.int32),
        pltpu.VMEM((K * 4,), jnp.float32),
        pltpu.VMEM((MP * 4,), jnp.float32),
        pltpu.VMEM((16,), jnp.float32),
        pltpu.SMEM((32,), jnp.int32),
        pltpu.SemaphoreType.DMA,
    ],
    compiler_params=pltpu.CompilerParams(needs_layout_passes=False),
)
def _rpn_loss_sc(match_hbm, tgt_hbm, rpn_hbm, out_hbm,
                 chunk_v, idx_v, idx4_v, rows_v, tgt_v, sum_v,
                 flag_smem, sem):
    c = lax.axis_index("c")
    s = lax.axis_index("s")
    b = c * 4 + s // 4
    q = s % 4
    img = s // 4
    iota = lax.iota(jnp.int32, 16)

    for w in range(18):
        flag_smem[w] = 0

    pltpu.sync_copy(match_hbm.at[pl.ds(b * A + q * CH, CH)], chunk_v)
    pltpu.sync_copy(tgt_hbm.at[pl.ds(b * (MP * 4), MP * 4)], tgt_v)

    row_base = b * A + q * CH

    def fill_body(i, carry):
        ag0 = q * CH + i * 16 + iota
        idx_v[pl.ds(i * 16, 16)] = b * (A * 4) + ((ag0 >> 7) << 9) + (ag0 & 127)
        return carry

    lax.fori_loop(0, K // 16, fill_body, 0)

    zimg = b * (A * 4)

    def scan_slow(i, off_vec):
        for u in range(U):
            base_e = (i * U + u) * 16
            v = chunk_v[pl.ds(base_e, 16)]
            m = v == 1
            slot = off_vec + plsc.cumsum(m.astype(jnp.int32)) - 1
            slot = jnp.clip(slot, 0, K - 1)
            ag = q * CH + base_e + iota
            zrow = zimg + ((ag >> 7) << 9) + (ag & 127)
            plsc.store_scatter(idx_v, [slot], zrow, mask=m)
            off_vec = off_vec + plsc.all_reduce_population_count(m)
        return off_vec

    def scan_body(i, off_vec):
        z = chunk_v[pl.ds(i * U * 16, 16)] ^ 1
        for u in range(1, U):
            z = jnp.minimum(z, chunk_v[pl.ds((i * U + u) * 16, 16)] ^ 1)
        return lax.cond(
            jnp.any(z == 0), lambda: scan_slow(i, off_vec), lambda: off_vec
        )

    off_vec = lax.fori_loop(0, NV // U, scan_body, jnp.zeros((16,), jnp.int32))
    cnt = jnp.max(off_vec)

    for qq in range(NQ):
        add = jnp.where(qq > q, cnt, jnp.int32(0))
        plsc.fetch_and_add(
            flag_smem.at[2 + img * 4 + qq], add, subcore_id=jnp.int32(0)
        )
    plsc.fetch_and_add(flag_smem.at[0], jnp.int32(1), subcore_id=jnp.int32(0))

    def spin_cond(seen):
        return seen < NS

    def spin_body(seen):
        return plsc.fetch_and_add(
            flag_smem.at[0], jnp.int32(0), subcore_id=jnp.int32(0)
        )

    lax.while_loop(spin_cond, spin_body, jnp.int32(0))

    base = plsc.fetch_and_add(
        flag_smem.at[2 + img * 4 + q], jnp.int32(0), subcore_id=jnp.int32(0)
    )

    def exp_body(t, carry):
        e = t * 16 + iota
        flat = plsc.load_gather(idx_v, [e // 4])
        idx4_v[pl.ds(t * 16, 16)] = flat + (e % 4) * 128
        return carry

    lax.fori_loop(0, K * 4 // 16, exp_body, 0)

    cnt_cap = jnp.minimum(cnt, K)
    nelem = cnt_cap * 4
    ng = (nelem + GW - 1) // GW

    def gath_body(g, carry):
        pltpu.async_copy(
            rpn_hbm.at[idx4_v.at[pl.ds(g * GW, GW)]],
            rows_v.at[pl.ds(g * GW, GW)],
            sem,
        ).wait()
        return carry

    lax.fori_loop(0, ng, gath_body, 0)

    def loss_body(t, acc):
        e = t * 16 + iota
        r = e // 4
        d = e % 4
        g_rank = jnp.minimum(base + r, MP - 1)
        tv = plsc.load_gather(
            tgt_v, [((g_rank >> 7) << 9) + d * 128 + (g_rank & 127)]
        )
        pv = rows_v[pl.ds(t * 16, 16)]
        diff = jnp.abs(tv - pv)
        l = jnp.where(diff < 1.0, 0.5 * diff * diff, diff - 0.5)
        return acc + jnp.where(e < nelem, l, 0.0)

    nt = (nelem + 15) // 16
    acc = lax.fori_loop(0, nt, loss_body, jnp.zeros((16,), jnp.float32))
    part = jnp.sum(acc)

    sum_v[...] = jnp.where(
        iota == 0, part,
        jnp.where(iota == 1, cnt.astype(jnp.float32), jnp.float32(0)),
    )
    w = c * NS + s
    pltpu.sync_copy(sum_v, out_hbm.at[pl.ds(w * 16, 16)])


@jax.jit
def kernel(target_bbox, rpn_match, rpn_bbox):
    matchf = rpn_match.reshape(B * A)
    tgtf = (
        target_bbox.transpose(0, 2, 1)
        .reshape(B, 4, MP // 128, 128)
        .transpose(0, 2, 1, 3)
        .reshape(B * MP * 4)
    )
    rpnf = (
        rpn_bbox.reshape(B, A // 128, 128, 4)
        .transpose(0, 1, 3, 2)
        .reshape(B * A * 4)
    )
    r = _rpn_loss_sc(matchf, tgtf, rpnf).reshape(NW, 16)
    total = jnp.sum(r[:, 0])
    cntf = jnp.sum(r[:, 1])
    return total / (cntf * 4.0)

# --- scband reference (transcript-rebuilt; emitter-appended) ---
"""Pipeline reference for scband-rpnbbox-loss-39213051413180 (READ-ONLY COPY).

The authoritative reference and input builder live on the scoring server;
editing this copy changes nothing except your own understanding.
"""

import jax, jax.numpy as jnp
import numpy as np

IMAGES_PER_GPU = 8
ANCHORS = 261888
MAX_POS = 256


def setup_inputs(seed: int = 0) -> dict:
    key = jax.random.key(seed)
    k1, k2, k3 = jax.random.split(key, 3)
    target_bbox = jax.random.normal(k1, (IMAGES_PER_GPU, MAX_POS, 4), dtype=jnp.float32)
    # rpn_match encodes 1=positive, -1=negative, 0=neutral; we draw randint(0, 2048)
    # so value==1 occurs with prob ~1/2048 -> ~128 positives per image (< MAX_POS).
    rpn_match = jax.random.randint(k2, (IMAGES_PER_GPU, ANCHORS, 1), 0, 2048, dtype=jnp.int32)
    rpn_bbox = jax.random.normal(k3, (IMAGES_PER_GPU, ANCHORS, 4), dtype=jnp.float32)
    return {"target_bbox": target_bbox, "rpn_match": rpn_match, "rpn_bbox": rpn_bbox}


def smooth_l1_loss(y_true, y_pred):
    diff = jnp.abs(y_true - y_pred)
    less_than_one = (diff < 1.0).astype(diff.dtype)
    return less_than_one * 0.5 * diff ** 2 + (1.0 - less_than_one) * (diff - 0.5)


def reference(target_bbox, rpn_match, rpn_bbox):
    # squeeze match to [batch, anchors]
    match = rpn_match.squeeze(-1)
    pos = (match == 1)
    pos_i = pos.astype(jnp.int32)
    # rank of each anchor among the positives of its image (exclusive cumsum)
    rank = jnp.cumsum(pos_i, axis=1) - pos_i
    rank = jnp.clip(rank, 0, target_bbox.shape[1] - 1)
    # gather the matching target row for every anchor (fixed shape)
    gathered = jnp.take_along_axis(target_bbox, rank[..., None], axis=1)
    loss = smooth_l1_loss(gathered, rpn_bbox)
    mask = pos[..., None].astype(loss.dtype)
    total = jnp.sum(loss * mask)
    count = jnp.sum(pos_i) * loss.shape[-1]
    return total / count.astype(loss.dtype)

if __name__ == "__main__":
    import jax
    _d = setup_inputs()
    print(jax.jit(kernel)(*tuple(_d.values())))

</pallas_src>

<mosaic_0001>
#map = affine_map<(d0, d1) -> (0)>
module attributes {stable_mosaic.version = 14 : i64} {
  func.func @_rpn_loss_sc(%arg0: i32, %arg1: i32, %arg2: memref<2095104xi32, #tpu.memory_space<hbm>>, %arg3: memref<8192xf32, #tpu.memory_space<hbm>>, %arg4: memref<8380416xf32, #tpu.memory_space<hbm>>, %arg5: memref<512xf32, #tpu.memory_space<hbm>>, %arg6: memref<65472xi32, #tpu.memory_space<vmem>>, %arg7: memref<512xi32, #tpu.memory_space<vmem>>, %arg8: memref<2048xi32, #tpu.memory_space<vmem>>, %arg9: memref<2048xf32, #tpu.memory_space<vmem>>, %arg10: memref<1024xf32, #tpu.memory_space<vmem>>, %arg11: memref<16xf32, #tpu.memory_space<vmem>>, %arg12: memref<32xi32, #tpu.memory_space<smem>>, %arg13: memref<!tpu.dma_semaphore, #tpu.memory_space<semaphore_mem>>) attributes {dimension_semantics = [#tpu.dimension_semantics<core_parallel>, #tpu.dimension_semantics<subcore_parallel>], iteration_bounds = array<i64: 2, 16>, scalar_prefetch = 0 : i64, scratch_operands = 8 : i64, tpu.core_type = #tpu.core_type<sc_vector_subcore>, window_params = [{transform_indices = #map}, {transform_indices = #map}, {transform_indices = #map}, {transform_indices = #map}]} {
    %mul3A = arith.constant 4 : i32
    %mul3A_0 = arith.muli %arg0, %mul3A : i32
    %jit3A = arith.constant 4 : i32
    %div3A = arith.divsi %arg1, %jit3A : i32
    %sign3A = arith.constant 0 : i32
    %sign3A_1 = arith.cmpi sgt, %arg1, %sign3A : i32
    %sign3A_2 = arith.extui %sign3A_1 : i1 to i32
    %sign3A_3 = arith.constant 0 : i32
    %sign3A_4 = arith.cmpi slt, %arg1, %sign3A_3 : i32
    %sign3A_5 = arith.extui %sign3A_4 : i1 to i32
    %sign3A_6 = arith.subi %sign3A_2, %sign3A_5 : i32
    %sign3A_7 = arith.constant 0 : i32
    %sign3A_8 = arith.cmpi sgt, %jit3A, %sign3A_7 : i32
    %sign3A_9 = arith.extui %sign3A_8 : i1 to i32
    %sign3A_10 = arith.constant 0 : i32
    %sign3A_11 = arith.cmpi slt, %jit3A, %sign3A_10 : i32
    %sign3A_12 = arith.extui %sign3A_11 : i1 to i32
    %sign3A_13 = arith.subi %sign3A_9, %sign3A_12 : i32
    %ne3A = arith.cmpi ne, %sign3A_6, %sign3A_13 : i32
    %rem3A = arith.remsi %arg1, %jit3A : i32
    %ne3A_14 = arith.constant 0 : i32
    %ne3A_15 = arith.cmpi ne, %rem3A, %ne3A_14 : i32
    %and3A = arith.andi %ne3A, %ne3A_15 : i1
    %sub3A = arith.constant 1 : i32
    %sub3A_16 = arith.subi %div3A, %sub3A : i32
    %select_n3A = arith.select %and3A, %sub3A_16, %div3A : i32
    %add3A = arith.addi %mul3A_0, %select_n3A : i32
    %jit3A_17 = arith.constant 4 : i32
    %eq3A = arith.constant 0 : i32
    %eq3A_18 = arith.cmpi eq, %jit3A_17, %eq3A : i32
    %jit3A_19 = arith.constant 1 : i32
    %select_n3A_20 = arith.select %eq3A_18, %jit3A_19, %jit3A_17 : i32
    %rem3A_21 = arith.remsi %arg1, %select_n3A_20 : i32
    %ne3A_22 = arith.constant 0 : i32
    %ne3A_23 = arith.cmpi ne, %rem3A_21, %ne3A_22 : i32
    %lt3A = arith.constant 0 : i32
    %lt3A_24 = arith.cmpi slt, %rem3A_21, %lt3A : i32
    %lt3A_25 = arith.constant 0 : i32
    %lt3A_26 = arith.cmpi slt, %select_n3A_20, %lt3A_25 : i32
    %ne3A_27 = arith.xori %lt3A_24, %lt3A_26 : i1
    %and3A_28 = arith.andi %ne3A_27, %ne3A_23 : i1
    %add3A_29 = arith.addi %rem3A_21, %select_n3A_20 : i32
    %select_n3A_30 = arith.select %and3A_28, %add3A_29, %rem3A_21 : i32
    %jit3A_31 = arith.constant 4 : i32
    %div3A_32 = arith.divsi %arg1, %jit3A_31 : i32
    %sign3A_33 = arith.constant 0 : i32
    %sign3A_34 = arith.cmpi sgt, %arg1, %sign3A_33 : i32
    %sign3A_35 = arith.extui %sign3A_34 : i1 to i32
    %sign3A_36 = arith.constant 0 : i32
    %sign3A_37 = arith.cmpi slt, %arg1, %sign3A_36 : i32
    %sign3A_38 = arith.extui %sign3A_37 : i1 to i32
    %sign3A_39 = arith.subi %sign3A_35, %sign3A_38 : i32
    %sign3A_40 = arith.constant 0 : i32
    %sign3A_41 = arith.cmpi sgt, %jit3A_31, %sign3A_40 : i32
    %sign3A_42 = arith.extui %sign3A_41 : i1 to i32
    %sign3A_43 = arith.constant 0 : i32
    %sign3A_44 = arith.cmpi slt, %jit3A_31, %sign3A_43 : i32
    %sign3A_45 = arith.extui %sign3A_44 : i1 to i32
    %sign3A_46 = arith.subi %sign3A_42, %sign3A_45 : i32
    %ne3A_47 = arith.cmpi ne, %sign3A_39, %sign3A_46 : i32
    %rem3A_48 = arith.remsi %arg1, %jit3A_31 : i32
    %ne3A_49 = arith.constant 0 : i32
    %ne3A_50 = arith.cmpi ne, %rem3A_48, %ne3A_49 : i32
    %and3A_51 = arith.andi %ne3A_47, %ne3A_50 : i1
    %sub3A_52 = arith.constant 1 : i32
    %sub3A_53 = arith.subi %div3A_32, %sub3A_52 : i32
    %select_n3A_54 = arith.select %and3A_51, %sub3A_53, %div3A_32 : i32
    %iota3A = tpu.iota {dimensions = array<i32: 0>} : vector<16xi32>
    %swap3A = arith.constant 0 : i32
    %swap3A_55 = arith.constant 0 : i32
    %swap3A_56 = arith.index_cast %swap3A_55 : i32 to index
    %swap3A_57 = memref.load %arg12[%swap3A_56] : memref<32xi32, #tpu.memory_space<smem>>
    memref.store %swap3A, %arg12[%swap3A_56] : memref<32xi32, #tpu.memory_space<smem>>
    %swap3A_58 = arith.constant 0 : i32
    %swap3A_59 = arith.constant 1 : i32
    %swap3A_60 = arith.index_cast %swap3A_59 : i32 to index
    %swap3A_61 = memref.load %arg12[%swap3A_60] : memref<32xi32, #tpu.memory_space<smem>>
    memref.store %swap3A_58, %arg12[%swap3A_60] : memref<32xi32, #tpu.memory_space<smem>>
    %swap3A_62 = arith.constant 0 : i32
    %swap3A_63 = arith.constant 2 : i32
    %swap3A_64 = arith.index_cast %swap3A_63 : i32 to index
    %swap3A_65 = memref.load %arg12[%swap3A_64] : memref<32xi32, #tpu.memory_space<smem>>
    memref.store %swap3A_62, %arg12[%swap3A_64] : memref<32xi32, #tpu.memory_space<smem>>
    %swap3A_66 = arith.constant 0 : i32
    %swap3A_67 = arith.constant 3 : i32
    %swap3A_68 = arith.index_cast %swap3A_67 : i32 to index
    %swap3A_69 = memref.load %arg12[%swap3A_68] : memref<32xi32, #tpu.memory_space<smem>>
    memref.store %swap3A_66, %arg12[%swap3A_68] : memref<32xi32, #tpu.memory_space<smem>>
    %swap3A_70 = arith.constant 0 : i32
    %swap3A_71 = arith.constant 4 : i32
    %swap3A_72 = arith.index_cast %swap3A_71 : i32 to index
    %swap3A_73 = memref.load %arg12[%swap3A_72] : memref<32xi32, #tpu.memory_space<smem>>
    memref.store %swap3A_70, %arg12[%swap3A_72] : memref<32xi32, #tpu.memory_space<smem>>
    %swap3A_74 = arith.constant 0 : i32
    %swap3A_75 = arith.constant 5 : i32
    %swap3A_76 = arith.index_cast %swap3A_75 : i32 to index
    %swap3A_77 = memref.load %arg12[%swap3A_76] : memref<32xi32, #tpu.memory_space<smem>>
    memref.store %swap3A_74, %arg12[%swap3A_76] : memref<32xi32, #tpu.memory_space<smem>>
    %swap3A_78 = arith.constant 0 : i32
    %swap3A_79 = arith.constant 6 : i32
    %swap3A_80 = arith.index_cast %swap3A_79 : i32 to index
    %swap3A_81 = memref.load %arg12[%swap3A_80] : memref<32xi32, #tpu.memory_space<smem>>
    memref.store %swap3A_78, %arg12[%swap3A_80] : memref<32xi32, #tpu.memory_space<smem>>
    %swap3A_82 = arith.constant 0 : i32
    %swap3A_83 = arith.constant 7 : i32
    %swap3A_84 = arith.index_cast %swap3A_83 : i32 to index
    %swap3A_85 = memref.load %arg12[%swap3A_84] : memref<32xi32, #tpu.memory_space<smem>>
    memref.store %swap3A_82, %arg12[%swap3A_84] : memref<32xi32, #tpu.memory_space<smem>>
    %swap3A_86 = arith.constant 0 : i32
    %swap3A_87 = arith.constant 8 : i32
    %swap3A_88 = arith.index_cast %swap3A_87 : i32 to index
    %swap3A_89 = memref.load %arg12[%swap3A_88] : memref<32xi32, #tpu.memory_space<smem>>
    memref.store %swap3A_86, %arg12[%swap3A_88] : memref<32xi32, #tpu.memory_space<smem>>
    %swap3A_90 = arith.constant 0 : i32
    %swap3A_91 = arith.constant 9 : i32
    %swap3A_92 = arith.index_cast %swap3A_91 : i32 to index
    %swap3A_93 = memref.load %arg12[%swap3A_92] : memref<32xi32, #tpu.memory_space<smem>>
    memref.store %swap3A_90, %arg12[%swap3A_92] : memref<32xi32, #tpu.memory_space<smem>>
    %swap3A_94 = arith.constant 0 : i32
    %swap3A_95 = arith.constant 10 : i32
    %swap3A_96 = arith.index_cast %swap3A_95 : i32 to index
    %swap3A_97 = memref.load %arg12[%swap3A_96] : memref<32xi32, #tpu.memory_space<smem>>
    memref.store %swap3A_94, %arg12[%swap3A_96] : memref<32xi32, #tpu.memory_space<smem>>
    %swap3A_98 = arith.constant 0 : i32
    %swap3A_99 = arith.constant 11 : i32
    %swap3A_100 = arith.index_cast %swap3A_99 : i32 to index
    %swap3A_101 = memref.load %arg12[%swap3A_100] : memref<32xi32, #tpu.memory_space<smem>>
    memref.store %swap3A_98, %arg12[%swap3A_100] : memref<32xi32, #tpu.memory_space<smem>>
    %swap3A_102 = arith.constant 0 : i32
    %swap3A_103 = arith.constant 12 : i32
    %swap3A_104 = arith.index_cast %swap3A_103 : i32 to index
    %swap3A_105 = memref.load %arg12[%swap3A_104] : memref<32xi32, #tpu.memory_space<smem>>
    memref.store %swap3A_102, %arg12[%swap3A_104] : memref<32xi32, #tpu.memory_space<smem>>
    %swap3A_106 = arith.constant 0 : i32
    %swap3A_107 = arith.constant 13 : i32
    %swap3A_108 = arith.index_cast %swap3A_107 : i32 to index
    %swap3A_109 = memref.load %arg12[%swap3A_108] : memref<32xi32, #tpu.memory_space<smem>>
    memref.store %swap3A_106, %arg12[%swap3A_108] : memref<32xi32, #tpu.memory_space<smem>>
    %swap3A_110 = arith.constant 0 : i32
    %swap3A_111 = arith.constant 14 : i32
    %swap3A_112 = arith.index_cast %swap3A_111 : i32 to index
    %swap3A_113 = memref.load %arg12[%swap3A_112] : memref<32xi32, #tpu.memory_space<smem>>
    memref.store %swap3A_110, %arg12[%swap3A_112] : memref<32xi32, #tpu.memory_space<smem>>
    %swap3A_114 = arith.constant 0 : i32
    %swap3A_115 = arith.constant 15 : i32
    %swap3A_116 = arith.index_cast %swap3A_115 : i32 to index
    %swap3A_117 = memref.load %arg12[%swap3A_116] : memref<32xi32, #tpu.memory_space<smem>>
    memref.store %swap3A_114, %arg12[%swap3A_116] : memref<32xi32, #tpu.memory_space<smem>>
    %swap3A_118 = arith.constant 0 : i32
    %swap3A_119 = arith.constant 16 : i32
    %swap3A_120 = arith.index_cast %swap3A_119 : i32 to index
    %swap3A_121 = memref.load %arg12[%swap3A_120] : memref<32xi32, #tpu.memory_space<smem>>
    memref.store %swap3A_118, %arg12[%swap3A_120] : memref<32xi32, #tpu.memory_space<smem>>
    %swap3A_122 = arith.constant 0 : i32
    %swap3A_123 = arith.constant 17 : i32
    %swap3A_124 = arith.index_cast %swap3A_123 : i32 to index
    %swap3A_125 = memref.load %arg12[%swap3A_124] : memref<32xi32, #tpu.memory_space<smem>>
    memref.store %swap3A_122, %arg12[%swap3A_124] : memref<32xi32, #tpu.memory_space<smem>>
    %mul3A_126 = arith.constant 261888 : i32
    %mul3A_127 = arith.muli %add3A, %mul3A_126 : i32
    %mul3A_128 = arith.constant 65472 : i32
    %mul3A_129 = arith.muli %select_n3A_30, %mul3A_128 : i32
    %add3A_130 = arith.addi %mul3A_127, %mul3A_129 : i32
    "tpu.region"() ({
      %run_scoped3A = tpu.sem_alloc : memref<!tpu.dma_semaphore, #tpu.memory_space<semaphore_mem>>
      %dma_start3A = tpu.memref_slice %arg2[%add3A_130] : memref<2095104xi32, #tpu.memory_space<hbm>> -> memref<65472xi32, #tpu.memory_space<hbm>>
      %dma_start3A_327 = tpu.memref_slice %arg2[%add3A_130] : memref<2095104xi32, #tpu.memory_space<hbm>> -> memref<65472xi32, #tpu.memory_space<hbm>>
      tpu.enqueue_dma source(%dma_start3A_327 : memref<65472xi32, #tpu.memory_space<hbm>>) target(%arg6 : memref<65472xi32, #tpu.memory_space<vmem>>) target_semaphore(%run_scoped3A : memref<!tpu.dma_semaphore, #tpu.memory_space<semaphore_mem>>)
      %dma_wait3A = tpu.memref_slice %arg2[%add3A_130] : memref<2095104xi32, #tpu.memory_space<hbm>> -> memref<65472xi32, #tpu.memory_space<hbm>>
      %dma_wait3A_328 = tpu.memref_slice %arg2[%add3A_130] : memref<2095104xi32, #tpu.memory_space<hbm>> -> memref<65472xi32, #tpu.memory_space<hbm>>
      tpu.wait_dma2 semaphore(%run_scoped3A : memref<!tpu.dma_semaphore, #tpu.memory_space<semaphore_mem>>) src(%dma_wait3A_328 : memref<65472xi32, #tpu.memory_space<hbm>>) dst(%arg6 : memref<65472xi32, #tpu.memory_space<vmem>>)
      tpu.yield
    }) : () -> ()
    %mul3A_131 = arith.constant 1024 : i32
    %mul3A_132 = arith.muli %add3A, %mul3A_131 : i32
    "tpu.region"() ({
      %run_scoped3A = tpu.sem_alloc : memref<!tpu.dma_semaphore, #tpu.memory_space<semaphore_mem>>
      %dma_start3A = tpu.memref_slice %arg3[%mul3A_132] : memref<8192xf32, #tpu.memory_space<hbm>> -> memref<1024xf32, #tpu.memory_space<hbm>>
      %dma_start3A_327 = tpu.memref_slice %arg3[%mul3A_132] : memref<8192xf32, #tpu.memory_space<hbm>> -> memref<1024xf32, #tpu.memory_space<hbm>>
      tpu.enqueue_dma source(%dma_start3A_327 : memref<1024xf32, #tpu.memory_space<hbm>>) target(%arg10 : memref<1024xf32, #tpu.memory_space<vmem>>) target_semaphore(%run_scoped3A : memref<!tpu.dma_semaphore, #tpu.memory_space<semaphore_mem>>)
      %dma_wait3A = tpu.memref_slice %arg3[%mul3A_132] : memref<8192xf32, #tpu.memory_space<hbm>> -> memref<1024xf32, #tpu.memory_space<hbm>>
      %dma_wait3A_328 = tpu.memref_slice %arg3[%mul3A_132] : memref<8192xf32, #tpu.memory_space<hbm>> -> memref<1024xf32, #tpu.memory_space<hbm>>
      tpu.wait_dma2 semaphore(%run_scoped3A : memref<!tpu.dma_semaphore, #tpu.memory_space<semaphore_mem>>) src(%dma_wait3A_328 : memref<1024xf32, #tpu.memory_space<hbm>>) dst(%arg10 : memref<1024xf32, #tpu.memory_space<vmem>>)
      tpu.yield
    }) : () -> ()
    %mul3A_133 = arith.constant 261888 : i32
    %mul3A_134 = arith.muli %add3A, %mul3A_133 : i32
    %mul3A_135 = arith.constant 65472 : i32
    %mul3A_136 = arith.muli %select_n3A_30, %mul3A_135 : i32
    %add3A_137 = arith.addi %mul3A_134, %mul3A_136 : i32
    %scan3A = arith.constant 0 : i32
    %scan3A_138 = arith.constant 0 : i32
    %scan3A_139 = arith.constant 32 : i32
    %scan3A_140 = arith.addi %scan3A_138, %scan3A_139 : i32
    %scan3A_141 = arith.constant 1 : i32
    scf.for %scan3A_327 = %scan3A_138 to %scan3A_140 step %scan3A_141  : i32 {
      %mul3A_328 = arith.constant 65472 : i32
      %mul3A_329 = arith.muli %select_n3A_30, %mul3A_328 : i32
      %mul3A_330 = arith.constant 16 : i32
      %mul3A_331 = arith.muli %scan3A_327, %mul3A_330 : i32
      %add3A_332 = arith.addi %mul3A_329, %mul3A_331 : i32
      %add3A_333 = vector.broadcast %add3A_332 : i32 to vector<16xi32>
      %add3A_334 = arith.addi %add3A_333, %iota3A : vector<16xi32>
      %mul3A_335 = arith.constant 1047552 : i32
      %mul3A_336 = arith.muli %add3A, %mul3A_335 : i32
      %shift_right_arithmetic3A = arith.constant 7 : i32
      %shift_right_arithmetic3A_337 = vector.broadcast %shift_right_arithmetic3A : i32 to vector<16xi32>
      %shift_right_arithmetic3A_338 = arith.shrsi %add3A_334, %shift_right_arithmetic3A_337 : vector<16xi32>
      %shift_left3A = arith.constant 9 : i32
      %shift_left3A_339 = vector.broadcast %shift_left3A : i32 to vector<16xi32>
      %shift_left3A_340 = arith.shli %shift_right_arithmetic3A_338, %shift_left3A_339 : vector<16xi32>
      %add3A_341 = vector.broadcast %mul3A_336 : i32 to vector<16xi32>
      %add3A_342 = arith.addi %add3A_341, %shift_left3A_340 : vector<16xi32>
      %and3A_343 = arith.constant 127 : i32
      %and3A_344 = vector.broadcast %and3A_343 : i32 to vector<16xi32>
      %and3A_345 = arith.andi %add3A_334, %and3A_344 : vector<16xi32>
      %add3A_346 = arith.addi %add3A_342, %and3A_345 : vector<16xi32>
      %mul3A_347 = arith.constant 16 : i32
      %mul3A_348 = arith.muli %scan3A_327, %mul3A_347 : i32
      %swap3A_349 = arith.index_cast %mul3A_348 : i32 to index
      %swap3A_350 = tpu.vector_load %arg7[%swap3A_349] {strides = array<i32>} : memref<512xi32, #tpu.memory_space<vmem>>, vector<16xi32>,
      tpu.vector_store %arg7[%swap3A_349], %add3A_346 {strides = array<i32>} : memref<512xi32, #tpu.memory_space<vmem>>, vector<16xi32>,
    }
    %scan3A_142 = arith.constant 32 : i32
    %mul3A_143 = arith.constant 1047552 : i32
    %mul3A_144 = arith.muli %add3A, %mul3A_143 : i32
    %broadcast_in_dim3A = arith.constant 0 : i32
    %broadcast_in_dim3A_145 = vector.broadcast %broadcast_in_dim3A : i32 to vector<16xi32>
    %scan3A_146 = arith.constant 0 : i32
    %scan3A_147 = arith.constant 682 : i32
    %scan3A_148 = arith.addi %scan3A_146, %scan3A_147 : i32
    %scan3A_149 = arith.constant 1 : i32
    %scan3A_150 = scf.for %scan3A_327 = %scan3A_146 to %scan3A_148 step %scan3A_149 iter_args(%scan3A_328 = %broadcast_in_dim3A_145) -> (vector<16xi32>)  : i32 {
      %mul3A_329 = arith.constant 6 : i32
      %mul3A_330 = arith.muli %scan3A_327, %mul3A_329 : i32
      %mul3A_331 = arith.constant 16 : i32
      %mul3A_332 = arith.muli %mul3A_330, %mul3A_331 : i32
      %get3A = arith.index_cast %mul3A_332 : i32 to index
      %get3A_333 = tpu.vector_load %arg6[%get3A] {strides = array<i32>} : memref<65472xi32, #tpu.memory_space<vmem>>, vector<16xi32>,
      %xor3A = arith.constant 1 : i32
      %xor3A_334 = vector.broadcast %xor3A : i32 to vector<16xi32>
      %xor3A_335 = arith.xori %get3A_333, %xor3A_334 : vector<16xi32>
      %mul3A_336 = arith.constant 6 : i32
      %mul3A_337 = arith.muli %scan3A_327, %mul3A_336 : i32
      %add3A_338 = arith.constant 1 : i32
      %add3A_339 = arith.addi %mul3A_337, %add3A_338 : i32
      %mul3A_340 = arith.constant 16 : i32
      %mul3A_341 = arith.muli %add3A_339, %mul3A_340 : i32
      %get3A_342 = arith.index_cast %mul3A_341 : i32 to index
      %get3A_343 = tpu.vector_load %arg6[%get3A_342] {strides = array<i32>} : memref<65472xi32, #tpu.memory_space<vmem>>, vector<16xi32>,
      %xor3A_344 = arith.constant 1 : i32
      %xor3A_345 = vector.broadcast %xor3A_344 : i32 to vector<16xi32>
      %xor3A_346 = arith.xori %get3A_343, %xor3A_345 : vector<16xi32>
      %min3A_347 = arith.minsi %xor3A_335, %xor3A_346 : vector<16xi32>
      %mul3A_348 = arith.constant 6 : i32
      %mul3A_349 = arith.muli %scan3A_327, %mul3A_348 : i32
      %add3A_350 = arith.constant 2 : i32
      %add3A_351 = arith.addi %mul3A_349, %add3A_350 : i32
      %mul3A_352 = arith.constant 16 : i32
      %mul3A_353 = arith.muli %add3A_351, %mul3A_352 : i32
      %get3A_354 = arith.index_cast %mul3A_353 : i32 to index
      %get3A_355 = tpu.vector_load %arg6[%get3A_354] {strides = array<i32>} : memref<65472xi32, #tpu.memory_space<vmem>>, vector<16xi32>,
      %xor3A_356 = arith.constant 1 : i32
      %xor3A_357 = vector.broadcast %xor3A_356 : i32 to vector<16xi32>
      %xor3A_358 = arith.xori %get3A_355, %xor3A_357 : vector<16xi32>
      %min3A_359 = arith.minsi %min3A_347, %xor3A_358 : vector<16xi32>
      %mul3A_360 = arith.constant 6 : i32
      %mul3A_361 = arith.muli %scan3A_327, %mul3A_360 : i32
      %add3A_362 = arith.constant 3 : i32
      %add3A_363 = arith.addi %mul3A_361, %add3A_362 : i32
      %mul3A_364 = arith.constant 16 : i32
      %mul3A_365 = arith.muli %add3A_363, %mul3A_364 : i32
      %get3A_366 = arith.index_cast %mul3A_365 : i32 to index
      %get3A_367 = tpu.vector_load %arg6[%get3A_366] {strides = array<i32>} : memref<65472xi32, #tpu.memory_space<vmem>>, vector<16xi32>,
      %xor3A_368 = arith.constant 1 : i32
      %xor3A_369 = vector.broadcast %xor3A_368 : i32 to vector<16xi32>
      %xor3A_370 = arith.xori %get3A_367, %xor3A_369 : vector<16xi32>
      %min3A_371 = arith.minsi %min3A_359, %xor3A_370 : vector<16xi32>
      %mul3A_372 = arith.constant 6 : i32
      %mul3A_373 = arith.muli %scan3A_327, %mul3A_372 : i32
      %add3A_374 = arith.constant 4 : i32
      %add3A_375 = arith.addi %mul3A_373, %add3A_374 : i32
      %mul3A_376 = arith.constant 16 : i32
      %mul3A_377 = arith.muli %add3A_375, %mul3A_376 : i32
      %get3A_378 = arith.index_cast %mul3A_377 : i32 to index
      %get3A_379 = tpu.vector_load %arg6[%get3A_378] {strides = array<i32>} : memref<65472xi32, #tpu.memory_space<vmem>>, vector<16xi32>,
      %xor3A_380 = arith.constant 1 : i32
      %xor3A_381 = vector.broadcast %xor3A_380 : i32 to vector<16xi32>
      %xor3A_382 = arith.xori %get3A_379, %xor3A_381 : vector<16xi32>
      %min3A_383 = arith.minsi %min3A_371, %xor3A_382 : vector<16xi32>
      %mul3A_384 = arith.constant 6 : i32
      %mul3A_385 = arith.muli %scan3A_327, %mul3A_384 : i32
      %add3A_386 = arith.constant 5 : i32
      %add3A_387 = arith.addi %mul3A_385, %add3A_386 : i32
      %mul3A_388 = arith.constant 16 : i32
      %mul3A_389 = arith.muli %add3A_387, %mul3A_388 : i32
      %get3A_390 = arith.index_cast %mul3A_389 : i32 to index
      %get3A_391 = tpu.vector_load %arg6[%get3A_390] {strides = array<i32>} : memref<65472xi32, #tpu.memory_space<vmem>>, vector<16xi32>,
      %xor3A_392 = arith.constant 1 : i32
      %xor3A_393 = vector.broadcast %xor3A_392 : i32 to vector<16xi32>
      %xor3A_394 = arith.xori %get3A_391, %xor3A_393 : vector<16xi32>
      %min3A_395 = arith.minsi %min3A_383, %xor3A_394 : vector<16xi32>
      %eq3A_396 = arith.constant 0 : i32
      %eq3A_397 = vector.broadcast %eq3A_396 : i32 to vector<16xi32>
      %eq3A_398 = arith.cmpi eq, %min3A_395, %eq3A_397 : vector<16xi32>
      %reduce_or3A = arith.constant 1.000000e+00 : f32
      %reduce_or3A_399 = arith.constant 0.000000e+00 : f32
      %reduce_or3A_400 = vector.broadcast %reduce_or3A : f32 to vector<16xf32>
      %reduce_or3A_401 = vector.broadcast %reduce_or3A_399 : f32 to vector<16xf32>
      %reduce_or3A_402 = arith.select %eq3A_398, %reduce_or3A_400, %reduce_or3A_401 : vector<16xi1>, vector<16xf32>
      %reduce_or3A_403 = arith.constant true
      %reduce_or3A_404 = vector.broadcast %reduce_or3A_403 : i1 to vector<16xi1>
      %reduce_or3A_405 = tpu.scan <max>, %reduce_or3A_402 masked %reduce_or3A_404 : vector<16xf32>, vector<16xi1> -> vector<16xf32>
      %reduce_or3A_406 = vector.extract %reduce_or3A_405[15] : f32 from vector<16xf32>
      %reduce_or3A_407 = arith.constant 0.000000e+00 : f32
      %reduce_or3A_408 = arith.cmpf ogt, %reduce_or3A_406, %reduce_or3A_407 : f32
      %convert_element_type3A_409 = arith.extui %reduce_or3A_408 : i1 to i32
      %cond3A = arith.constant 0 : i32
      %cond3A_410 = arith.cmpi ne, %convert_element_type3A_409, %cond3A : i32
      %cond3A_411 = scf.if %cond3A_410 -> (vector<16xi32>) {
        %mul3A_412 = arith.constant 6 : i32
        %mul3A_413 = arith.muli %scan3A_327, %mul3A_412 : i32
        %add3A_414 = arith.constant 0 : i32
        %add3A_415 = arith.addi %mul3A_413, %add3A_414 : i32
        %mul3A_416 = arith.constant 16 : i32
        %mul3A_417 = arith.muli %add3A_415, %mul3A_416 : i32
        %get3A_418 = arith.index_cast %mul3A_417 : i32 to index
        %get3A_419 = tpu.vector_load %arg6[%get3A_418] {strides = array<i32>} : memref<65472xi32, #tpu.memory_space<vmem>>, vector<16xi32>,
        %eq3A_420 = arith.constant 1 : i32
        %eq3A_421 = vector.broadcast %eq3A_420 : i32 to vector<16xi32>
        %eq3A_422 = arith.cmpi eq, %get3A_419, %eq3A_421 : vector<16xi32>
        %convert_element_type3A_423 = arith.extui %eq3A_422 : vector<16xi1> to vector<16xi32>
        %broadcast_in_dim3A_424 = arith.constant true
        %broadcast_in_dim3A_425 = vector.broadcast %broadcast_in_dim3A_424 : i1 to vector<16xi1>
        %masked_cumsum3A = tpu.scan <sum>, %convert_element_type3A_423 masked %broadcast_in_dim3A_425 : vector<16xi32>, vector<16xi1> -> vector<16xi32>
        %add3A_426 = arith.addi %scan3A_328, %masked_cumsum3A : vector<16xi32>
        %sub3A_427 = arith.constant 1 : i32
        %sub3A_428 = vector.broadcast %sub3A_427 : i32 to vector<16xi32>
        %sub3A_429 = arith.subi %add3A_426, %sub3A_428 : vector<16xi32>
        %jit3A_430 = arith.constant 0 : i32
        %jit3A_431 = arith.constant 511 : i32
        %max3A = vector.broadcast %jit3A_430 : i32 to vector<16xi32>
        %max3A_432 = arith.maxsi %max3A, %sub3A_429 : vector<16xi32>
        %min3A_433 = vector.broadcast %jit3A_431 : i32 to vector<16xi32>
        %min3A_434 = arith.minsi %min3A_433, %max3A_432 : vector<16xi32>
        %mul3A_435 = arith.constant 65472 : i32
        %mul3A_436 = arith.muli %select_n3A_30, %mul3A_435 : i32
        %add3A_437 = arith.addi %mul3A_436, %mul3A_417 : i32
        %add3A_438 = vector.broadcast %add3A_437 : i32 to vector<16xi32>
        %add3A_439 = arith.addi %add3A_438, %iota3A : vector<16xi32>
        %shift_right_arithmetic3A = arith.constant 7 : i32
        %shift_right_arithmetic3A_440 = vector.broadcast %shift_right_arithmetic3A : i32 to vector<16xi32>
        %shift_right_arithmetic3A_441 = arith.shrsi %add3A_439, %shift_right_arithmetic3A_440 : vector<16xi32>
        %shift_left3A = arith.constant 9 : i32
        %shift_left3A_442 = vector.broadcast %shift_left3A : i32 to vector<16xi32>
        %shift_left3A_443 = arith.shli %shift_right_arithmetic3A_441, %shift_left3A_442 : vector<16xi32>
        %add3A_444 = vector.broadcast %mul3A_144 : i32 to vector<16xi32>
        %add3A_445 = arith.addi %add3A_444, %shift_left3A_443 : vector<16xi32>
        %and3A_446 = arith.constant 127 : i32
        %and3A_447 = vector.broadcast %and3A_446 : i32 to vector<16xi32>
        %and3A_448 = arith.andi %add3A_439, %and3A_447 : vector<16xi32>
        %add3A_449 = arith.addi %add3A_445, %and3A_448 : vector<16xi32>
        tpu.vector_store_idx %arg7[%min3A_434], %add3A_449 masked %eq3A_422 : memref<512xi32, #tpu.memory_space<vmem>>[vector<16xi32>], vector<16xi32>, vector<16xi1>
        %all_reduce_population_count3A = tpu.all_reduce %eq3A_422 {dim = 0 : i64, kind = #tpu.reduction_kind<sum>} : vector<16xi1> -> vector<16xi32>
        %add3A_450 = arith.addi %scan3A_328, %all_reduce_population_count3A : vector<16xi32>
        %mul3A_451 = arith.constant 6 : i32
        %mul3A_452 = arith.muli %scan3A_327, %mul3A_451 : i32
        %add3A_453 = arith.constant 1 : i32
        %add3A_454 = arith.addi %mul3A_452, %add3A_453 : i32
        %mul3A_455 = arith.constant 16 : i32
        %mul3A_456 = arith.muli %add3A_454, %mul3A_455 : i32
        %get3A_457 = arith.index_cast %mul3A_456 : i32 to index
        %get3A_458 = tpu.vector_load %arg6[%get3A_457] {strides = array<i32>} : memref<65472xi32, #tpu.memory_space<vmem>>, vector<16xi32>,
        %eq3A_459 = arith.constant 1 : i32
        %eq3A_460 = vector.broadcast %eq3A_459 : i32 to vector<16xi32>
        %eq3A_461 = arith.cmpi eq, %get3A_458, %eq3A_460 : vector<16xi32>
        %convert_element_type3A_462 = arith.extui %eq3A_461 : vector<16xi1> to vector<16xi32>
        %broadcast_in_dim3A_463 = arith.constant true
        %broadcast_in_dim3A_464 = vector.broadcast %broadcast_in_dim3A_463 : i1 to vector<16xi1>
        %masked_cumsum3A_465 = tpu.scan <sum>, %convert_element_type3A_462 masked %broadcast_in_dim3A_464 : vector<16xi32>, vector<16xi1> -> vector<16xi32>
        %add3A_466 = arith.addi %add3A_450, %masked_cumsum3A_465 : vector<16xi32>
        %sub3A_467 = arith.constant 1 : i32
        %sub3A_468 = vector.broadcast %sub3A_467 : i32 to vector<16xi32>
        %sub3A_469 = arith.subi %add3A_466, %sub3A_468 : vector<16xi32>
        %jit3A_470 = arith.constant 0 : i32
        %jit3A_471 = arith.constant 511 : i32
        %max3A_472 = vector.broadcast %jit3A_470 : i32 to vector<16xi32>
        %max3A_473 = arith.maxsi %max3A_472, %sub3A_469 : vector<16xi32>
        %min3A_474 = vector.broadcast %jit3A_471 : i32 to vector<16xi32>
        %min3A_475 = arith.minsi %min3A_474, %max3A_473 : vector<16xi32>
        %mul3A_476 = arith.constant 65472 : i32
        %mul3A_477 = arith.muli %select_n3A_30, %mul3A_476 : i32
        %add3A_478 = arith.addi %mul3A_477, %mul3A_456 : i32
        %add3A_479 = vector.broadcast %add3A_478 : i32 to vector<16xi32>
        %add3A_480 = arith.addi %add3A_479, %iota3A : vector<16xi32>
        %shift_right_arithmetic3A_481 = arith.constant 7 : i32
        %shift_right_arithmetic3A_482 = vector.broadcast %shift_right_arithmetic3A_481 : i32 to vector<16xi32>
        %shift_right_arithmetic3A_483 = arith.shrsi %add3A_480, %shift_right_arithmetic3A_482 : vector<16xi32>
        %shift_left3A_484 = arith.constant 9 : i32
        %shift_left3A_485 = vector.broadcast %shift_left3A_484 : i32 to vector<16xi32>
        %shift_left3A_486 = arith.shli %shift_right_arithmetic3A_483, %shift_left3A_485 : vector<16xi32>
        %add3A_487 = vector.broadcast %mul3A_144 : i32 to vector<16xi32>
        %add3A_488 = arith.addi %add3A_487, %shift_left3A_486 : vector<16xi32>
        %and3A_489 = arith.constant 127 : i32
        %and3A_490 = vector.broadcast %and3A_489 : i32 to vector<16xi32>
        %and3A_491 = arith.andi %add3A_480, %and3A_490 : vector<16xi32>
        %add3A_492 = arith.addi %add3A_488, %and3A_491 : vector<16xi32>
        tpu.vector_store_idx %arg7[%min3A_475], %add3A_492 masked %eq3A_461 : memref<512xi32, #tpu.memory_space<vmem>>[vector<16xi32>], vector<16xi32>, vector<16xi1>
        %all_reduce_population_count3A_493 = tpu.all_reduce %eq3A_461 {dim = 0 : i64, kind = #tpu.reduction_kind<sum>} : vector<16xi1> -> vector<16xi32>
        %add3A_494 = arith.addi %add3A_450, %all_reduce_population_count3A_493 : vector<16xi32>
        %mul3A_495 = arith.constant 6 : i32
        %mul3A_496 = arith.muli %scan3A_327, %mul3A_495 : i32
        %add3A_497 = arith.constant 2 : i32
        %add3A_498 = arith.addi %mul3A_496, %add3A_497 : i32
        %mul3A_499 = arith.constant 16 : i32
        %mul3A_500 = arith.muli %add3A_498, %mul3A_499 : i32
        %get3A_501 = arith.index_cast %mul3A_500 : i32 to index
        %get3A_502 = tpu.vector_load %arg6[%get3A_501] {strides = array<i32>} : memref<65472xi32, #tpu.memory_space<vmem>>, vector<16xi32>,
        %eq3A_503 = arith.constant 1 : i32
        %eq3A_504 = vector.broadcast %eq3A_503 : i32 to vector<16xi32>
        %eq3A_505 = arith.cmpi eq, %get3A_502, %eq3A_504 : vector<16xi32>
        %convert_element_type3A_506 = arith.extui %eq3A_505 : vector<16xi1> to vector<16xi32>
        %broadcast_in_dim3A_507 = arith.constant true
        %broadcast_in_dim3A_508 = vector.broadcast %broadcast_in_dim3A_507 : i1 to vector<16xi1>
        %masked_cumsum3A_509 = tpu.scan <sum>, %convert_element_type3A_506 masked %broadcast_in_dim3A_508 : vector<16xi32>, vector<16xi1> -> vector<16xi32>
        %add3A_510 = arith.addi %add3A_494, %masked_cumsum3A_509 : vector<16xi32>
        %sub3A_511 = arith.constant 1 : i32
        %sub3A_512 = vector.broadcast %sub3A_511 : i32 to vector<16xi32>
        %sub3A_513 = arith.subi %add3A_510, %sub3A_512 : vector<16xi32>
        %jit3A_514 = arith.constant 0 : i32
        %jit3A_515 = arith.constant 511 : i32
        %max3A_516 = vector.broadcast %jit3A_514 : i32 to vector<16xi32>
        %max3A_517 = arith.maxsi %max3A_516, %sub3A_513 : vector<16xi32>
        %min3A_518 = vector.broadcast %jit3A_515 : i32 to vector<16xi32>
        %min3A_519 = arith.minsi %min3A_518, %max3A_517 : vector<16xi32>
        %mul3A_520 = arith.constant 65472 : i32
        %mul3A_521 = arith.muli %select_n3A_30, %mul3A_520 : i32
        %add3A_522 = arith.addi %mul3A_521, %mul3A_500 : i32
        %add3A_523 = vector.broadcast %add3A_522 : i32 to vector<16xi32>
        %add3A_524 = arith.addi %add3A_523, %iota3A : vector<16xi32>
        %shift_right_arithmetic3A_525 = arith.constant 7 : i32
        %shift_right_arithmetic3A_526 = vector.broadcast %shift_right_arithmetic3A_525 : i32 to vector<16xi32>
        %shift_right_arithmetic3A_527 = arith.shrsi %add3A_524, %shift_right_arithmetic3A_526 : vector<16xi32>
        %shift_left3A_528 = arith.constant 9 : i32
        %shift_left3A_529 = vector.broadcast %shift_left3A_528 : i32 to vector<16xi32>
        %shift_left3A_530 = arith.shli %shift_right_arithmetic3A_527, %shift_left3A_529 : vector<16xi32>
        %add3A_531 = vector.broadcast %mul3A_144 : i32 to vector<16xi32>
        %add3A_532 = arith.addi %add3A_531, %shift_left3A_530 : vector<16xi32>
        %and3A_533 = arith.constant 127 : i32
        %and3A_534 = vector.broadcast %and3A_533 : i32 to vector<16xi32>
        %and3A_535 = arith.andi %add3A_524, %and3A_534 : vector<16xi32>
        %add3A_536 = arith.addi %add3A_532, %and3A_535 : vector<16xi32>
        tpu.vector_store_idx %arg7[%min3A_519], %add3A_536 masked %eq3A_505 : memref<512xi32, #tpu.memory_space<vmem>>[vector<16xi32>], vector<16xi32>, vector<16xi1>
        %all_reduce_population_count3A_537 = tpu.all_reduce %eq3A_505 {dim = 0 : i64, kind = #tpu.reduction_kind<sum>} : vector<16xi1> -> vector<16xi32>
        %add3A_538 = arith.addi %add3A_494, %all_reduce_population_count3A_537 : vector<16xi32>
        %mul3A_539 = arith.constant 6 : i32
        %mul3A_540 = arith.muli %scan3A_327, %mul3A_539 : i32
        %add3A_541 = arith.constant 3 : i32
        %add3A_542 = arith.addi %mul3A_540, %add3A_541 : i32
        %mul3A_543 = arith.constant 16 : i32
        %mul3A_544 = arith.muli %add3A_542, %mul3A_543 : i32
        %get3A_545 = arith.index_cast %mul3A_544 : i32 to index
        %get3A_546 = tpu.vector_load %arg6[%get3A_545] {strides = array<i32>} : memref<65472xi32, #tpu.memory_space<vmem>>, vector<16xi32>,
        %eq3A_547 = arith.constant 1 : i32
        %eq3A_548 = vector.broadcast %eq3A_547 : i32 to vector<16xi32>
        %eq3A_549 = arith.cmpi eq, %get3A_546, %eq3A_548 : vector<16xi32>
        %convert_element_type3A_550 = arith.extui %eq3A_549 : vector<16xi1> to vector<16xi32>
        %broadcast_in_dim3A_551 = arith.constant true
        %broadcast_in_dim3A_552 = vector.broadcast %broadcast_in_dim3A_551 : i1 to vector<16xi1>
        %masked_cumsum3A_553 = tpu.scan <sum>, %convert_element_type3A_550 masked %broadcast_in_dim3A_552 : vector<16xi32>, vector<16xi1> -> vector<16xi32>
        %add3A_554 = arith.addi %add3A_538, %masked_cumsum3A_553 : vector<16xi32>
        %sub3A_555 = arith.constant 1 : i32
        %sub3A_556 = vector.broadcast %sub3A_555 : i32 to vector<16xi32>
        %sub3A_557 = arith.subi %add3A_554, %sub3A_556 : vector<16xi32>
        %jit3A_558 = arith.constant 0 : i32
        %jit3A_559 = arith.constant 511 : i32
        %max3A_560 = vector.broadcast %jit3A_558 : i32 to vector<16xi32>
        %max3A_561 = arith.maxsi %max3A_560, %sub3A_557 : vector<16xi32>
        %min3A_562 = vector.broadcast %jit3A_559 : i32 to vector<16xi32>
        %min3A_563 = arith.minsi %min3A_562, %max3A_561 : vector<16xi32>
        %mul3A_564 = arith.constant 65472 : i32
        %mul3A_565 = arith.muli %select_n3A_30, %mul3A_564 : i32
        %add3A_566 = arith.addi %mul3A_565, %mul3A_544 : i32
        %add3A_567 = vector.broadcast %add3A_566 : i32 to vector<16xi32>
        %add3A_568 = arith.addi %add3A_567, %iota3A : vector<16xi32>
        %shift_right_arithmetic3A_569 = arith.constant 7 : i32
        %shift_right_arithmetic3A_570 = vector.broadcast %shift_right_arithmetic3A_569 : i32 to vector<16xi32>
        %shift_right_arithmetic3A_571 = arith.shrsi %add3A_568, %shift_right_arithmetic3A_570 : vector<16xi32>
        %shift_left3A_572 = arith.constant 9 : i32
        %shift_left3A_573 = vector.broadcast %shift_left3A_572 : i32 to vector<16xi32>
        %shift_left3A_574 = arith.shli %shift_right_arithmetic3A_571, %shift_left3A_573 : vector<16xi32>
        %add3A_575 = vector.broadcast %mul3A_144 : i32 to vector<16xi32>
        %add3A_576 = arith.addi %add3A_575, %shift_left3A_574 : vector<16xi32>
        %and3A_577 = arith.constant 127 : i32
        %and3A_578 = vector.broadcast %and3A_577 : i32 to vector<16xi32>
        %and3A_579 = arith.andi %add3A_568, %and3A_578 : vector<16xi32>
        %add3A_580 = arith.addi %add3A_576, %and3A_579 : vector<16xi32>
        tpu.vector_store_idx %arg7[%min3A_563], %add3A_580 masked %eq3A_549 : memref<512xi32, #tpu.memory_space<vmem>>[vector<16xi32>], vector<16xi32>, vector<16xi1>
        %all_reduce_population_count3A_581 = tpu.all_reduce %eq3A_549 {dim = 0 : i64, kind = #tpu.reduction_kind<sum>} : vector<16xi1> -> vector<16xi32>
        %add3A_582 = arith.addi %add3A_538, %all_reduce_population_count3A_581 : vector<16xi32>
        %mul3A_583 = arith.constant 6 : i32
        %mul3A_584 = arith.muli %scan3A_327, %mul3A_583 : i32
        %add3A_585 = arith.constant 4 : i32
        %add3A_586 = arith.addi %mul3A_584, %add3A_585 : i32
        %mul3A_587 = arith.constant 16 : i32
        %mul3A_588 = arith.muli %add3A_586, %mul3A_587 : i32
        %get3A_589 = arith.index_cast %mul3A_588 : i32 to index
        %get3A_590 = tpu.vector_load %arg6[%get3A_589] {strides = array<i32>} : memref<65472xi32, #tpu.memory_space<vmem>>, vector<16xi32>,
        %eq3A_591 = arith.constant 1 : i32
        %eq3A_592 = vector.broadcast %eq3A_591 : i32 to vector<16xi32>
        %eq3A_593 = arith.cmpi eq, %get3A_590, %eq3A_592 : vector<16xi32>
        %convert_element_type3A_594 = arith.extui %eq3A_593 : vector<16xi1> to vector<16xi32>
        %broadcast_in_dim3A_595 = arith.constant true
        %broadcast_in_dim3A_596 = vector.broadcast %broadcast_in_dim3A_595 : i1 to vector<16xi1>
        %masked_cumsum3A_597 = tpu.scan <sum>, %convert_element_type3A_594 masked %broadcast_in_dim3A_596 : vector<16xi32>, vector<16xi1> -> vector<16xi32>
        %add3A_598 = arith.addi %add3A_582, %masked_cumsum3A_597 : vector<16xi32>
        %sub3A_599 = arith.constant 1 : i32
        %sub3A_600 = vector.broadcast %sub3A_599 : i32 to vector<16xi32>
        %sub3A_601 = arith.subi %add3A_598, %sub3A_600 : vector<16xi32>
        %jit3A_602 = arith.constant 0 : i32
        %jit3A_603 = arith.constant 511 : i32
        %max3A_604 = vector.broadcast %jit3A_602 : i32 to vector<16xi32>
        %max3A_605 = arith.maxsi %max3A_604, %sub3A_601 : vector<16xi32>
        %min3A_606 = vector.broadcast %jit3A_603 : i32 to vector<16xi32>
        %min3A_607 = arith.minsi %min3A_606, %max3A_605 : vector<16xi32>
        %mul3A_608 = arith.constant 65472 : i32
        %mul3A_609 = arith.muli %select_n3A_30, %mul3A_608 : i32
        %add3A_610 = arith.addi %mul3A_609, %mul3A_588 : i32
        %add3A_611 = vector.broadcast %add3A_610 : i32 to vector<16xi32>
        %add3A_612 = arith.addi %add3A_611, %iota3A : vector<16xi32>
        %shift_right_arithmetic3A_613 = arith.constant 7 : i32
        %shift_right_arithmetic3A_614 = vector.broadcast %shift_right_arithmetic3A_613 : i32 to vector<16xi32>
        %shift_right_arithmetic3A_615 = arith.shrsi %add3A_612, %shift_right_arithmetic3A_614 : vector<16xi32>
        %shift_left3A_616 = arith.constant 9 : i32
        %shift_left3A_617 = vector.broadcast %shift_left3A_616 : i32 to vector<16xi32>
        %shift_left3A_618 = arith.shli %shift_right_arithmetic3A_615, %shift_left3A_617 : vector<16xi32>
        %add3A_619 = vector.broadcast %mul3A_144 : i32 to vector<16xi32>
        %add3A_620 = arith.addi %add3A_619, %shift_left3A_618 : vector<16xi32>
        %and3A_621 = arith.constant 127 : i32
        %and3A_622 = vector.broadcast %and3A_621 : i32 to vector<16xi32>
        %and3A_623 = arith.andi %add3A_612, %and3A_622 : vector<16xi32>
        %add3A_624 = arith.addi %add3A_620, %and3A_623 : vector<16xi32>
        tpu.vector_store_idx %arg7[%min3A_607], %add3A_624 masked %eq3A_593 : memref<512xi32, #tpu.memory_space<vmem>>[vector<16xi32>], vector<16xi32>, vector<16xi1>
        %all_reduce_population_count3A_625 = tpu.all_reduce %eq3A_593 {dim = 0 : i64, kind = #tpu.reduction_kind<sum>} : vector<16xi1> -> vector<16xi32>
        %add3A_626 = arith.addi %add3A_582, %all_reduce_population_count3A_625 : vector<16xi32>
        %mul3A_627 = arith.constant 6 : i32
        %mul3A_628 = arith.muli %scan3A_327, %mul3A_627 : i32
        %add3A_629 = arith.constant 5 : i32
        %add3A_630 = arith.addi %mul3A_628, %add3A_629 : i32
        %mul3A_631 = arith.constant 16 : i32
        %mul3A_632 = arith.muli %add3A_630, %mul3A_631 : i32
        %get3A_633 = arith.index_cast %mul3A_632 : i32 to index
        %get3A_634 = tpu.vector_load %arg6[%get3A_633] {strides = array<i32>} : memref<65472xi32, #tpu.memory_space<vmem>>, vector<16xi32>,
        %eq3A_635 = arith.constant 1 : i32
        %eq3A_636 = vector.broadcast %eq3A_635 : i32 to vector<16xi32>
        %eq3A_637 = arith.cmpi eq, %get3A_634, %eq3A_636 : vector<16xi32>
        %convert_element_type3A_638 = arith.extui %eq3A_637 : vector<16xi1> to vector<16xi32>
        %broadcast_in_dim3A_639 = arith.constant true
        %broadcast_in_dim3A_640 = vector.broadcast %broadcast_in_dim3A_639 : i1 to vector<16xi1>
        %masked_cumsum3A_641 = tpu.scan <sum>, %convert_element_type3A_638 masked %broadcast_in_dim3A_640 : vector<16xi32>, vector<16xi1> -> vector<16xi32>
        %add3A_642 = arith.addi %add3A_626, %masked_cumsum3A_641 : vector<16xi32>
        %sub3A_643 = arith.constant 1 : i32
        %sub3A_644 = vector.broadcast %sub3A_643 : i32 to vector<16xi32>
        %sub3A_645 = arith.subi %add3A_642, %sub3A_644 : vector<16xi32>
        %jit3A_646 = arith.constant 0 : i32
        %jit3A_647 = arith.constant 511 : i32
        %max3A_648 = vector.broadcast %jit3A_646 : i32 to vector<16xi32>
        %max3A_649 = arith.maxsi %max3A_648, %sub3A_645 : vector<16xi32>
        %min3A_650 = vector.broadcast %jit3A_647 : i32 to vector<16xi32>
        %min3A_651 = arith.minsi %min3A_650, %max3A_649 : vector<16xi32>
        %mul3A_652 = arith.constant 65472 : i32
        %mul3A_653 = arith.muli %select_n3A_30, %mul3A_652 : i32
        %add3A_654 = arith.addi %mul3A_653, %mul3A_632 : i32
        %add3A_655 = vector.broadcast %add3A_654 : i32 to vector<16xi32>
        %add3A_656 = arith.addi %add3A_655, %iota3A : vector<16xi32>
        %shift_right_arithmetic3A_657 = arith.constant 7 : i32
        %shift_right_arithmetic3A_658 = vector.broadcast %shift_right_arithmetic3A_657 : i32 to vector<16xi32>
        %shift_right_arithmetic3A_659 = arith.shrsi %add3A_656, %shift_right_arithmetic3A_658 : vector<16xi32>
        %shift_left3A_660 = arith.constant 9 : i32
        %shift_left3A_661 = vector.broadcast %shift_left3A_660 : i32 to vector<16xi32>
        %shift_left3A_662 = arith.shli %shift_right_arithmetic3A_659, %shift_left3A_661 : vector<16xi32>
        %add3A_663 = vector.broadcast %mul3A_144 : i32 to vector<16xi32>
        %add3A_664 = arith.addi %add3A_663, %shift_left3A_662 : vector<16xi32>
        %and3A_665 = arith.constant 127 : i32
        %and3A_666 = vector.broadcast %and3A_665 : i32 to vector<16xi32>
        %and3A_667 = arith.andi %add3A_656, %and3A_666 : vector<16xi32>
        %add3A_668 = arith.addi %add3A_664, %and3A_667 : vector<16xi32>
        tpu.vector_store_idx %arg7[%min3A_651], %add3A_668 masked %eq3A_637 : memref<512xi32, #tpu.memory_space<vmem>>[vector<16xi32>], vector<16xi32>, vector<16xi1>
        %all_reduce_population_count3A_669 = tpu.all_reduce %eq3A_637 {dim = 0 : i64, kind = #tpu.reduction_kind<sum>} : vector<16xi1> -> vector<16xi32>
        %add3A_670 = arith.addi %add3A_626, %all_reduce_population_count3A_669 : vector<16xi32>
        scf.yield %add3A_670 : vector<16xi32>
      } else {
        scf.yield %scan3A_328 : vector<16xi32>
      }
      scf.yield %cond3A_411 : vector<16xi32>
    }
    %scan3A_151 = arith.constant 682 : i32
    %reduce_max3A = arith.constant true
    %reduce_max3A_152 = vector.broadcast %reduce_max3A : i1 to vector<16xi1>
    %reduce_max3A_153 = arith.constant -2147483648 : i32
    %reduce_max3A_154 = vector.broadcast %reduce_max3A_153 : i32 to vector<16xi32>
    %reduce_max3A_155 = arith.xori %scan3A_150, %reduce_max3A_154 : vector<16xi32>
    %reduce_max3A_156 = tpu.scan <max>, %reduce_max3A_155 masked %reduce_max3A_152 : vector<16xi32>, vector<16xi1> -> vector<16xi32>
    %reduce_max3A_157 = arith.xori %reduce_max3A_156, %reduce_max3A_154 : vector<16xi32>
    %reduce_max3A_158 = vector.extract %reduce_max3A_157[15] : i32 from vector<16xi32>
    %lt3A_159 = arith.constant 0 : i32
    %lt3A_160 = arith.cmpi slt, %select_n3A_30, %lt3A_159 : i32
    %jit3A_161 = arith.constant 0 : i32
    %select_n3A_162 = arith.select %lt3A_160, %reduce_max3A_158, %jit3A_161 : i32
    %mul3A_163 = arith.constant 4 : i32
    %mul3A_164 = arith.muli %select_n3A_54, %mul3A_163 : i32
    %add3A_165 = arith.constant 2 : i32
    %add3A_166 = arith.addi %add3A_165, %mul3A_164 : i32
    %add3A_167 = arith.constant 0 : i32
    %add3A_168 = arith.addi %add3A_166, %add3A_167 : i32
    %sc_fetch_and_add3A = arith.constant 0 : i32
    %sc_fetch_and_add3A_169 = tpu.fetch_and_add_sync %arg12[%add3A_168], %select_n3A_162, %sc_fetch_and_add3A : memref<32xi32, #tpu.memory_space<smem>>, i32 -> i32
    %lt3A_170 = arith.constant 1 : i32
    %lt3A_171 = arith.cmpi slt, %select_n3A_30, %lt3A_170 : i32
    %jit3A_172 = arith.constant 0 : i32
    %select_n3A_173 = arith.select %lt3A_171, %reduce_max3A_158, %jit3A_172 : i32
    %mul3A_174 = arith.constant 4 : i32
    %mul3A_175 = arith.muli %select_n3A_54, %mul3A_174 : i32
    %add3A_176 = arith.constant 2 : i32
    %add3A_177 = arith.addi %add3A_176, %mul3A_175 : i32
    %add3A_178 = arith.constant 1 : i32
    %add3A_179 = arith.addi %add3A_177, %add3A_178 : i32
    %sc_fetch_and_add3A_180 = arith.constant 0 : i32
    %sc_fetch_and_add3A_181 = tpu.fetch_and_add_sync %arg12[%add3A_179], %select_n3A_173, %sc_fetch_and_add3A_180 : memref<32xi32, #tpu.memory_space<smem>>, i32 -> i32
    %lt3A_182 = arith.constant 2 : i32
    %lt3A_183 = arith.cmpi slt, %select_n3A_30, %lt3A_182 : i32
    %jit3A_184 = arith.constant 0 : i32
    %select_n3A_185 = arith.select %lt3A_183, %reduce_max3A_158, %jit3A_184 : i32
    %mul3A_186 = arith.constant 4 : i32
    %mul3A_187 = arith.muli %select_n3A_54, %mul3A_186 : i32
    %add3A_188 = arith.constant 2 : i32
    %add3A_189 = arith.addi %add3A_188, %mul3A_187 : i32
    %add3A_190 = arith.constant 2 : i32
    %add3A_191 = arith.addi %add3A_189, %add3A_190 : i32
    %sc_fetch_and_add3A_192 = arith.constant 0 : i32
    %sc_fetch_and_add3A_193 = tpu.fetch_and_add_sync %arg12[%add3A_191], %select_n3A_185, %sc_fetch_and_add3A_192 : memref<32xi32, #tpu.memory_space<smem>>, i32 -> i32
    %lt3A_194 = arith.constant 3 : i32
    %lt3A_195 = arith.cmpi slt, %select_n3A_30, %lt3A_194 : i32
    %jit3A_196 = arith.constant 0 : i32
    %select_n3A_197 = arith.select %lt3A_195, %reduce_max3A_158, %jit3A_196 : i32
    %mul3A_198 = arith.constant 4 : i32
    %mul3A_199 = arith.muli %select_n3A_54, %mul3A_198 : i32
    %add3A_200 = arith.constant 2 : i32
    %add3A_201 = arith.addi %add3A_200, %mul3A_199 : i32
    %add3A_202 = arith.constant 3 : i32
    %add3A_203 = arith.addi %add3A_201, %add3A_202 : i32
    %sc_fetch_and_add3A_204 = arith.constant 0 : i32
    %sc_fetch_and_add3A_205 = tpu.fetch_and_add_sync %arg12[%add3A_203], %select_n3A_197, %sc_fetch_and_add3A_204 : memref<32xi32, #tpu.memory_space<smem>>, i32 -> i32
    %sc_fetch_and_add3A_206 = arith.constant 1 : i32
    %sc_fetch_and_add3A_207 = arith.constant 0 : i32
    %sc_fetch_and_add3A_208 = arith.constant 0 : i32
    %sc_fetch_and_add3A_209 = tpu.fetch_and_add_sync %arg12[%sc_fetch_and_add3A_207], %sc_fetch_and_add3A_206, %sc_fetch_and_add3A_208 : memref<32xi32, #tpu.memory_space<smem>>, i32 -> i32
    %while3A = arith.constant 0 : i32
    %while3A_210 = scf.while (%while3A_327 = %while3A) : (i32) -> i32 {
      %lt3A_328 = arith.constant 16 : i32
      %lt3A_329 = arith.cmpi slt, %while3A_327, %lt3A_328 : i32
      scf.condition(%lt3A_329) %while3A_327 : i32
    } do {
    ^bb0(%while3A_327: i32):
      %sc_fetch_and_add3A_328 = arith.constant 0 : i32
      %sc_fetch_and_add3A_329 = arith.constant 0 : i32
      %sc_fetch_and_add3A_330 = arith.constant 0 : i32
      %sc_fetch_and_add3A_331 = tpu.fetch_and_add_sync %arg12[%sc_fetch_and_add3A_329], %sc_fetch_and_add3A_328, %sc_fetch_and_add3A_330 : memref<32xi32, #tpu.memory_space<smem>>, i32 -> i32
      scf.yield %sc_fetch_and_add3A_331 : i32
    }
    %mul3A_211 = arith.constant 4 : i32
    %mul3A_212 = arith.muli %select_n3A_54, %mul3A_211 : i32
    %add3A_213 = arith.constant 2 : i32
    %add3A_214 = arith.addi %add3A_213, %mul3A_212 : i32
    %add3A_215 = arith.addi %add3A_214, %select_n3A_30 : i32
    %sc_fetch_and_add3A_216 = arith.constant 0 : i32
    %sc_fetch_and_add3A_217 = arith.constant 0 : i32
    %sc_fetch_and_add3A_218 = tpu.fetch_and_add_sync %arg12[%add3A_215], %sc_fetch_and_add3A_216, %sc_fetch_and_add3A_217 : memref<32xi32, #tpu.memory_space<smem>>, i32 -> i32
    %scan3A_219 = arith.constant 0 : i32
    %scan3A_220 = arith.constant 0 : i32
    %scan3A_221 = arith.constant 128 : i32
    %scan3A_222 = arith.addi %scan3A_220, %scan3A_221 : i32
    %scan3A_223 = arith.constant 1 : i32
    scf.for %scan3A_327 = %scan3A_220 to %scan3A_222 step %scan3A_223  : i32 {
      %mul3A_328 = arith.constant 16 : i32
      %mul3A_329 = arith.muli %scan3A_327, %mul3A_328 : i32
      %add3A_330 = vector.broadcast %mul3A_329 : i32 to vector<16xi32>
      %add3A_331 = arith.addi %add3A_330, %iota3A : vector<16xi32>
      %jit3A_332 = arith.constant 4 : i32
      %div3A_333 = vector.broadcast %jit3A_332 : i32 to vector<16xi32>
      %div3A_334 = arith.divsi %add3A_331, %div3A_333 : vector<16xi32>
      %sign3A_335 = arith.constant 0 : i32
      %sign3A_336 = vector.broadcast %sign3A_335 : i32 to vector<16xi32>
      %sign3A_337 = arith.cmpi sgt, %add3A_331, %sign3A_336 : vector<16xi32>
      %sign3A_338 = arith.extui %sign3A_337 : vector<16xi1> to vector<16xi32>
      %sign3A_339 = arith.constant 0 : i32
      %sign3A_340 = vector.broadcast %sign3A_339 : i32 to vector<16xi32>
      %sign3A_341 = arith.cmpi slt, %add3A_331, %sign3A_340 : vector<16xi32>
      %sign3A_342 = arith.extui %sign3A_341 : vector<16xi1> to vector<16xi32>
      %sign3A_343 = arith.subi %sign3A_338, %sign3A_342 : vector<16xi32>
      %sign3A_344 = arith.constant 0 : i32
      %sign3A_345 = arith.cmpi sgt, %jit3A_332, %sign3A_344 : i32
      %sign3A_346 = arith.extui %sign3A_345 : i1 to i32
      %sign3A_347 = arith.constant 0 : i32
      %sign3A_348 = arith.cmpi slt, %jit3A_332, %sign3A_347 : i32
      %sign3A_349 = arith.extui %sign3A_348 : i1 to i32
      %sign3A_350 = arith.subi %sign3A_346, %sign3A_349 : i32
      %ne3A_351 = vector.broadcast %sign3A_350 : i32 to vector<16xi32>
      %ne3A_352 = arith.cmpi ne, %sign3A_343, %ne3A_351 : vector<16xi32>
      %rem3A_353 = vector.broadcast %jit3A_332 : i32 to vector<16xi32>
      %rem3A_354 = arith.remsi %add3A_331, %rem3A_353 : vector<16xi32>
      %ne3A_355 = arith.constant 0 : i32
      %ne3A_356 = vector.broadcast %ne3A_355 : i32 to vector<16xi32>
      %ne3A_357 = arith.cmpi ne, %rem3A_354, %ne3A_356 : vector<16xi32>
      %and3A_358 = arith.andi %ne3A_352, %ne3A_357 : vector<16xi1>
      %sub3A_359 = arith.constant 1 : i32
      %sub3A_360 = vector.broadcast %sub3A_359 : i32 to vector<16xi32>
      %sub3A_361 = arith.subi %div3A_334, %sub3A_360 : vector<16xi32>
      %select_n3A_362 = arith.select %and3A_358, %sub3A_361, %div3A_334 : vector<16xi1>, vector<16xi32>
      %gather3A = tpu.vector_load_idx %arg7[%select_n3A_362] : memref<512xi32, #tpu.memory_space<vmem>>[vector<16xi32>], vector<16xi32>,
      %jit3A_363 = arith.constant 4 : i32
      %eq3A_364 = arith.constant 0 : i32
      %eq3A_365 = arith.cmpi eq, %jit3A_363, %eq3A_364 : i32
      %jit3A_366 = arith.constant 1 : i32
      %select_n3A_367 = arith.select %eq3A_365, %jit3A_366, %jit3A_363 : i32
      %rem3A_368 = vector.broadcast %select_n3A_367 : i32 to vector<16xi32>
      %rem3A_369 = arith.remsi %add3A_331, %rem3A_368 : vector<16xi32>
      %ne3A_370 = arith.constant 0 : i32
      %ne3A_371 = vector.broadcast %ne3A_370 : i32 to vector<16xi32>
      %ne3A_372 = arith.cmpi ne, %rem3A_369, %ne3A_371 : vector<16xi32>
      %lt3A_373 = arith.constant 0 : i32
      %lt3A_374 = vector.broadcast %lt3A_373 : i32 to vector<16xi32>
      %lt3A_375 = arith.cmpi slt, %rem3A_369, %lt3A_374 : vector<16xi32>
      %lt3A_376 = arith.constant 0 : i32
      %lt3A_377 = arith.cmpi slt, %select_n3A_367, %lt3A_376 : i32
      %ne3A_378 = vector.broadcast %lt3A_377 : i1 to vector<16xi1>
      %ne3A_379 = vector.broadcast %ne3A_378 : vector<16xi1> to vector<16xi1>
      %ne3A_380 = arith.xori %lt3A_375, %ne3A_379 : vector<16xi1>
      %and3A_381 = arith.andi %ne3A_380, %ne3A_372 : vector<16xi1>
      %add3A_382 = vector.broadcast %select_n3A_367 : i32 to vector<16xi32>
      %add3A_383 = arith.addi %rem3A_369, %add3A_382 : vector<16xi32>
      %select_n3A_384 = arith.select %and3A_381, %add3A_383, %rem3A_369 : vector<16xi1>, vector<16xi32>
      %mul3A_385 = arith.constant 128 : i32
      %mul3A_386 = vector.broadcast %mul3A_385 : i32 to vector<16xi32>
      %mul3A_387 = arith.muli %select_n3A_384, %mul3A_386 : vector<16xi32>
      %add3A_388 = arith.addi %gather3A, %mul3A_387 : vector<16xi32>
      %mul3A_389 = arith.constant 16 : i32
      %mul3A_390 = arith.muli %scan3A_327, %mul3A_389 : i32
      %swap3A_391 = arith.index_cast %mul3A_390 : i32 to index
      %swap3A_392 = tpu.vector_load %arg8[%swap3A_391] {strides = array<i32>} : memref<2048xi32, #tpu.memory_space<vmem>>, vector<16xi32>,
      tpu.vector_store %arg8[%swap3A_391], %add3A_388 {strides = array<i32>} : memref<2048xi32, #tpu.memory_space<vmem>>, vector<16xi32>,
    }
    %scan3A_224 = arith.constant 128 : i32
    %min3A = arith.constant 512 : i32
    %min3A_225 = arith.minsi %reduce_max3A_158, %min3A : i32
    %mul3A_226 = arith.constant 4 : i32
    %mul3A_227 = arith.muli %min3A_225, %mul3A_226 : i32
    %add3A_228 = arith.constant 128 : i32
    %add3A_229 = arith.addi %mul3A_227, %add3A_228 : i32
    %sub3A_230 = arith.constant 1 : i32
    %sub3A_231 = arith.subi %add3A_229, %sub3A_230 : i32
    %jit3A_232 = arith.constant 128 : i32
    %div3A_233 = arith.divsi %sub3A_231, %jit3A_232 : i32
    %sign3A_234 = arith.constant 0 : i32
    %sign3A_235 = arith.cmpi sgt, %sub3A_231, %sign3A_234 : i32
    %sign3A_236 = arith.extui %sign3A_235 : i1 to i32
    %sign3A_237 = arith.constant 0 : i32
    %sign3A_238 = arith.cmpi slt, %sub3A_231, %sign3A_237 : i32
    %sign3A_239 = arith.extui %sign3A_238 : i1 to i32
    %sign3A_240 = arith.subi %sign3A_236, %sign3A_239 : i32
    %sign3A_241 = arith.constant 0 : i32
    %sign3A_242 = arith.cmpi sgt, %jit3A_232, %sign3A_241 : i32
    %sign3A_243 = arith.extui %sign3A_242 : i1 to i32
    %sign3A_244 = arith.constant 0 : i32
    %sign3A_245 = arith.cmpi slt, %jit3A_232, %sign3A_244 : i32
    %sign3A_246 = arith.extui %sign3A_245 : i1 to i32
    %sign3A_247 = arith.subi %sign3A_243, %sign3A_246 : i32
    %ne3A_248 = arith.cmpi ne, %sign3A_240, %sign3A_247 : i32
    %rem3A_249 = arith.remsi %sub3A_231, %jit3A_232 : i32
    %ne3A_250 = arith.constant 0 : i32
    %ne3A_251 = arith.cmpi ne, %rem3A_249, %ne3A_250 : i32
    %and3A_252 = arith.andi %ne3A_248, %ne3A_251 : i1
    %sub3A_253 = arith.constant 1 : i32
    %sub3A_254 = arith.subi %div3A_233, %sub3A_253 : i32
    %select_n3A_255 = arith.select %and3A_252, %sub3A_254, %div3A_233 : i32
    %while3A_256 = arith.constant 0 : i32
    %while3A_257 = arith.constant 0 : i32
    %while3A_258 = arith.subi %select_n3A_255, %while3A_257 : i32
    %while3A_259 = arith.addi %while3A_257, %while3A_258 : i32
    %while3A_260 = arith.constant 1 : i32
    %while3A_261 = arith.divsi %while3A_258, %while3A_260 : i32
    %while3A_262 = arith.muli %while3A_261, %while3A_260 : i32
    %while3A_263 = arith.addi %while3A_257, %while3A_262 : i32
    %while3A_264 = arith.constant 1 : i32
    scf.for %while3A_327 = %while3A_257 to %while3A_263 step %while3A_264  : i32 {
      %mul3A_328 = arith.constant 128 : i32
      %mul3A_329 = arith.muli %while3A_327, %mul3A_328 : i32
      %mul3A_330 = arith.constant 128 : i32
      %mul3A_331 = arith.muli %while3A_327, %mul3A_330 : i32
      %dma_start3A = tpu.memref_slice %arg9[%mul3A_331] : memref<2048xf32, #tpu.memory_space<vmem>> -> memref<128xf32, #tpu.memory_space<vmem>>
      %dma_start3A_332 = tpu.memref_slice %arg8[%mul3A_329] : memref<2048xi32, #tpu.memory_space<vmem>> -> memref<128xi32, #tpu.memory_space<vmem>>
      %dma_start3A_333 = arith.constant 0 : i32
      %dma_start3A_334 = tpu.memref_slice %arg4[%dma_start3A_333] : memref<8380416xf32, #tpu.memory_space<hbm>> -> memref<8380416xf32, #tpu.memory_space<hbm>>
      tpu.enqueue_indirect_dma source(%dma_start3A_334 : memref<8380416xf32, #tpu.memory_space<hbm>>) target(%dma_start3A : memref<128xf32, #tpu.memory_space<vmem>>) offsets(%dma_start3A_332 : memref<128xi32, #tpu.memory_space<vmem>>) semaphore(%arg13 : memref<!tpu.dma_semaphore, #tpu.memory_space<semaphore_mem>>)
      %dma_wait3A = tpu.memref_slice %arg9[%mul3A_331] : memref<2048xf32, #tpu.memory_space<vmem>> -> memref<128xf32, #tpu.memory_space<vmem>>
      %dma_wait3A_335 = tpu.memref_slice %arg8[%mul3A_329] : memref<2048xi32, #tpu.memory_space<vmem>> -> memref<128xi32, #tpu.memory_space<vmem>>
      %dma_wait3A_336 = arith.constant 0 : i32
      %dma_wait3A_337 = tpu.memref_slice %arg4[%dma_wait3A_336] : memref<8380416xf32, #tpu.memory_space<hbm>> -> memref<8380416xf32, #tpu.memory_space<hbm>>
      tpu.wait_indirect_dma semaphore(%arg13 : memref<!tpu.dma_semaphore, #tpu.memory_space<semaphore_mem>>) src(%dma_wait3A_337 : memref<8380416xf32, #tpu.memory_space<hbm>>) dst(%dma_wait3A : memref<128xf32, #tpu.memory_space<vmem>>)
    }
    %while3A_265 = arith.constant 1 : i32
    scf.for %while3A_327 = %while3A_263 to %while3A_259 step %while3A_265  : i32 {
      %mul3A_328 = arith.constant 128 : i32
      %mul3A_329 = arith.muli %while3A_327, %mul3A_328 : i32
      %mul3A_330 = arith.constant 128 : i32
      %mul3A_331 = arith.muli %while3A_327, %mul3A_330 : i32
      %dma_start3A = tpu.memref_slice %arg9[%mul3A_331] : memref<2048xf32, #tpu.memory_space<vmem>> -> memref<128xf32, #tpu.memory_space<vmem>>
      %dma_start3A_332 = tpu.memref_slice %arg8[%mul3A_329] : memref<2048xi32, #tpu.memory_space<vmem>> -> memref<128xi32, #tpu.memory_space<vmem>>
      %dma_start3A_333 = arith.constant 0 : i32
      %dma_start3A_334 = tpu.memref_slice %arg4[%dma_start3A_333] : memref<8380416xf32, #tpu.memory_space<hbm>> -> memref<8380416xf32, #tpu.memory_space<hbm>>
      tpu.enqueue_indirect_dma source(%dma_start3A_334 : memref<8380416xf32, #tpu.memory_space<hbm>>) target(%dma_start3A : memref<128xf32, #tpu.memory_space<vmem>>) offsets(%dma_start3A_332 : memref<128xi32, #tpu.memory_space<vmem>>) semaphore(%arg13 : memref<!tpu.dma_semaphore, #tpu.memory_space<semaphore_mem>>)
      %dma_wait3A = tpu.memref_slice %arg9[%mul3A_331] : memref<2048xf32, #tpu.memory_space<vmem>> -> memref<128xf32, #tpu.memory_space<vmem>>
      %dma_wait3A_335 = tpu.memref_slice %arg8[%mul3A_329] : memref<2048xi32, #tpu.memory_space<vmem>> -> memref<128xi32, #tpu.memory_space<vmem>>
      %dma_wait3A_336 = arith.constant 0 : i32
      %dma_wait3A_337 = tpu.memref_slice %arg4[%dma_wait3A_336] : memref<8380416xf32, #tpu.memory_space<hbm>> -> memref<8380416xf32, #tpu.memory_space<hbm>>
      tpu.wait_indirect_dma semaphore(%arg13 : memref<!tpu.dma_semaphore, #tpu.memory_space<semaphore_mem>>) src(%dma_wait3A_337 : memref<8380416xf32, #tpu.memory_space<hbm>>) dst(%dma_wait3A : memref<128xf32, #tpu.memory_space<vmem>>)
    }
    %add3A_266 = arith.constant 15 : i32
    %add3A_267 = arith.addi %mul3A_227, %add3A_266 : i32
    %jit3A_268 = arith.constant 16 : i32
    %div3A_269 = arith.divsi %add3A_267, %jit3A_268 : i32
    %sign3A_270 = arith.constant 0 : i32
    %sign3A_271 = arith.cmpi sgt, %add3A_267, %sign3A_270 : i32
    %sign3A_272 = arith.extui %sign3A_271 : i1 to i32
    %sign3A_273 = arith.constant 0 : i32
    %sign3A_274 = arith.cmpi slt, %add3A_267, %sign3A_273 : i32
    %sign3A_275 = arith.extui %sign3A_274 : i1 to i32
    %sign3A_276 = arith.subi %sign3A_272, %sign3A_275 : i32
    %sign3A_277 = arith.constant 0 : i32
    %sign3A_278 = arith.cmpi sgt, %jit3A_268, %sign3A_277 : i32
    %sign3A_279 = arith.extui %sign3A_278 : i1 to i32
    %sign3A_280 = arith.constant 0 : i32
    %sign3A_281 = arith.cmpi slt, %jit3A_268, %sign3A_280 : i32
    %sign3A_282 = arith.extui %sign3A_281 : i1 to i32
    %sign3A_283 = arith.subi %sign3A_279, %sign3A_282 : i32
    %ne3A_284 = arith.cmpi ne, %sign3A_276, %sign3A_283 : i32
    %rem3A_285 = arith.remsi %add3A_267, %jit3A_268 : i32
    %ne3A_286 = arith.constant 0 : i32
    %ne3A_287 = arith.cmpi ne, %rem3A_285, %ne3A_286 : i32
    %and3A_288 = arith.andi %ne3A_284, %ne3A_287 : i1
    %sub3A_289 = arith.constant 1 : i32
    %sub3A_290 = arith.subi %div3A_269, %sub3A_289 : i32
    %select_n3A_291 = arith.select %and3A_288, %sub3A_290, %div3A_269 : i32
    %broadcast_in_dim3A_292 = arith.constant 0.000000e+00 : f32
    %broadcast_in_dim3A_293 = vector.broadcast %broadcast_in_dim3A_292 : f32 to vector<16xf32>
    %while3A_294 = arith.constant 0 : i32
    %while3A_295 = arith.subi %select_n3A_291, %while3A_294 : i32
    %while3A_296 = arith.addi %while3A_294, %while3A_295 : i32
    %while3A_297 = arith.constant 1 : i32
    %while3A_298 = arith.divsi %while3A_295, %while3A_297 : i32
    %while3A_299 = arith.muli %while3A_298, %while3A_297 : i32
    %while3A_300 = arith.addi %while3A_294, %while3A_299 : i32
    %while3A_301 = arith.constant 1 : i32
    %while3A_302 = scf.for %while3A_327 = %while3A_294 to %while3A_300 step %while3A_301 iter_args(%while3A_328 = %broadcast_in_dim3A_293) -> (vector<16xf32>)  : i32 {
      %mul3A_329 = arith.constant 16 : i32
      %mul3A_330 = arith.muli %while3A_327, %mul3A_329 : i32
      %add3A_331 = vector.broadcast %mul3A_330 : i32 to vector<16xi32>
      %add3A_332 = arith.addi %add3A_331, %iota3A : vector<16xi32>
      %jit3A_333 = arith.constant 4 : i32
      %div3A_334 = vector.broadcast %jit3A_333 : i32 to vector<16xi32>
      %div3A_335 = arith.divsi %add3A_332, %div3A_334 : vector<16xi32>
      %sign3A_336 = arith.constant 0 : i32
      %sign3A_337 = vector.broadcast %sign3A_336 : i32 to vector<16xi32>
      %sign3A_338 = arith.cmpi sgt, %add3A_332, %sign3A_337 : vector<16xi32>
      %sign3A_339 = arith.extui %sign3A_338 : vector<16xi1> to vector<16xi32>
      %sign3A_340 = arith.constant 0 : i32
      %sign3A_341 = vector.broadcast %sign3A_340 : i32 to vector<16xi32>
      %sign3A_342 = arith.cmpi slt, %add3A_332, %sign3A_341 : vector<16xi32>
      %sign3A_343 = arith.extui %sign3A_342 : vector<16xi1> to vector<16xi32>
      %sign3A_344 = arith.subi %sign3A_339, %sign3A_343 : vector<16xi32>
      %sign3A_345 = arith.constant 0 : i32
      %sign3A_346 = arith.cmpi sgt, %jit3A_333, %sign3A_345 : i32
      %sign3A_347 = arith.extui %sign3A_346 : i1 to i32
      %sign3A_348 = arith.constant 0 : i32
      %sign3A_349 = arith.cmpi slt, %jit3A_333, %sign3A_348 : i32
      %sign3A_350 = arith.extui %sign3A_349 : i1 to i32
      %sign3A_351 = arith.subi %sign3A_347, %sign3A_350 : i32
      %ne3A_352 = vector.broadcast %sign3A_351 : i32 to vector<16xi32>
      %ne3A_353 = arith.cmpi ne, %sign3A_344, %ne3A_352 : vector<16xi32>
      %rem3A_354 = vector.broadcast %jit3A_333 : i32 to vector<16xi32>
      %rem3A_355 = arith.remsi %add3A_332, %rem3A_354 : vector<16xi32>
      %ne3A_356 = arith.constant 0 : i32
      %ne3A_357 = vector.broadcast %ne3A_356 : i32 to vector<16xi32>
      %ne3A_358 = arith.cmpi ne, %rem3A_355, %ne3A_357 : vector<16xi32>
      %and3A_359 = arith.andi %ne3A_353, %ne3A_358 : vector<16xi1>
      %sub3A_360 = arith.constant 1 : i32
      %sub3A_361 = vector.broadcast %sub3A_360 : i32 to vector<16xi32>
      %sub3A_362 = arith.subi %div3A_335, %sub3A_361 : vector<16xi32>
      %select_n3A_363 = arith.select %and3A_359, %sub3A_362, %div3A_335 : vector<16xi1>, vector<16xi32>
      %jit3A_364 = arith.constant 4 : i32
      %eq3A_365 = arith.constant 0 : i32
      %eq3A_366 = arith.cmpi eq, %jit3A_364, %eq3A_365 : i32
      %jit3A_367 = arith.constant 1 : i32
      %select_n3A_368 = arith.select %eq3A_366, %jit3A_367, %jit3A_364 : i32
      %rem3A_369 = vector.broadcast %select_n3A_368 : i32 to vector<16xi32>
      %rem3A_370 = arith.remsi %add3A_332, %rem3A_369 : vector<16xi32>
      %ne3A_371 = arith.constant 0 : i32
      %ne3A_372 = vector.broadcast %ne3A_371 : i32 to vector<16xi32>
      %ne3A_373 = arith.cmpi ne, %rem3A_370, %ne3A_372 : vector<16xi32>
      %lt3A_374 = arith.constant 0 : i32
      %lt3A_375 = vector.broadcast %lt3A_374 : i32 to vector<16xi32>
      %lt3A_376 = arith.cmpi slt, %rem3A_370, %lt3A_375 : vector<16xi32>
      %lt3A_377 = arith.constant 0 : i32
      %lt3A_378 = arith.cmpi slt, %select_n3A_368, %lt3A_377 : i32
      %ne3A_379 = vector.broadcast %lt3A_378 : i1 to vector<16xi1>
      %ne3A_380 = vector.broadcast %ne3A_379 : vector<16xi1> to vector<16xi1>
      %ne3A_381 = arith.xori %lt3A_376, %ne3A_380 : vector<16xi1>
      %and3A_382 = arith.andi %ne3A_381, %ne3A_373 : vector<16xi1>
      %add3A_383 = vector.broadcast %select_n3A_368 : i32 to vector<16xi32>
      %add3A_384 = arith.addi %rem3A_370, %add3A_383 : vector<16xi32>
      %select_n3A_385 = arith.select %and3A_382, %add3A_384, %rem3A_370 : vector<16xi1>, vector<16xi32>
      %add3A_386 = vector.broadcast %sc_fetch_and_add3A_218 : i32 to vector<16xi32>
      %add3A_387 = arith.addi %add3A_386, %select_n3A_363 : vector<16xi32>
      %min3A_388 = arith.constant 255 : i32
      %min3A_389 = vector.broadcast %min3A_388 : i32 to vector<16xi32>
      %min3A_390 = arith.minsi %add3A_387, %min3A_389 : vector<16xi32>
      %shift_right_arithmetic3A = arith.constant 7 : i32
      %shift_right_arithmetic3A_391 = vector.broadcast %shift_right_arithmetic3A : i32 to vector<16xi32>
      %shift_right_arithmetic3A_392 = arith.shrsi %min3A_390, %shift_right_arithmetic3A_391 : vector<16xi32>
      %shift_left3A = arith.constant 9 : i32
      %shift_left3A_393 = vector.broadcast %shift_left3A : i32 to vector<16xi32>
      %shift_left3A_394 = arith.shli %shift_right_arithmetic3A_392, %shift_left3A_393 : vector<16xi32>
      %mul3A_395 = arith.constant 128 : i32
      %mul3A_396 = vector.broadcast %mul3A_395 : i32 to vector<16xi32>
      %mul3A_397 = arith.muli %select_n3A_385, %mul3A_396 : vector<16xi32>
      %add3A_398 = arith.addi %shift_left3A_394, %mul3A_397 : vector<16xi32>
      %and3A_399 = arith.constant 127 : i32
      %and3A_400 = vector.broadcast %and3A_399 : i32 to vector<16xi32>
      %and3A_401 = arith.andi %min3A_390, %and3A_400 : vector<16xi32>
      %add3A_402 = arith.addi %add3A_398, %and3A_401 : vector<16xi32>
      %gather3A = tpu.vector_load_idx %arg10[%add3A_402] : memref<1024xf32, #tpu.memory_space<vmem>>[vector<16xi32>], vector<16xf32>,
      %mul3A_403 = arith.constant 16 : i32
      %mul3A_404 = arith.muli %while3A_327, %mul3A_403 : i32
      %get3A = arith.index_cast %mul3A_404 : i32 to index
      %get3A_405 = tpu.vector_load %arg9[%get3A] {strides = array<i32>} : memref<2048xf32, #tpu.memory_space<vmem>>, vector<16xf32>,
      %sub3A_406 = arith.subf %gather3A, %get3A_405 : vector<16xf32>
      %abs3A = math.absf %sub3A_406 : vector<16xf32>
      %lt3A_407 = arith.constant 1.000000e+00 : f32
      %lt3A_408 = vector.broadcast %lt3A_407 : f32 to vector<16xf32>
      %lt3A_409 = arith.cmpf olt, %abs3A, %lt3A_408 : vector<16xf32>
      %mul3A_410 = arith.constant 5.000000e-01 : f32
      %mul3A_411 = vector.broadcast %mul3A_410 : f32 to vector<16xf32>
      %mul3A_412 = arith.mulf %mul3A_411, %abs3A : vector<16xf32>
      %mul3A_413 = arith.mulf %mul3A_412, %abs3A : vector<16xf32>
      %sub3A_414 = arith.constant 5.000000e-01 : f32
      %sub3A_415 = vector.broadcast %sub3A_414 : f32 to vector<16xf32>
      %sub3A_416 = arith.subf %abs3A, %sub3A_415 : vector<16xf32>
      %select_n3A_417 = arith.select %lt3A_409, %mul3A_413, %sub3A_416 : vector<16xi1>, vector<16xf32>
      %lt3A_418 = vector.broadcast %mul3A_227 : i32 to vector<16xi32>
      %lt3A_419 = arith.cmpi slt, %add3A_332, %lt3A_418 : vector<16xi32>
      %jit3A_420 = arith.constant 0.000000e+00 : f32
      %broadcast_in_dim3A_421 = vector.broadcast %jit3A_420 : f32 to vector<16xf32>
      %select_n3A_422 = arith.select %lt3A_419, %select_n3A_417, %broadcast_in_dim3A_421 : vector<16xi1>, vector<16xf32>
      %add3A_423 = arith.addf %while3A_328, %select_n3A_422 : vector<16xf32>
      scf.yield %add3A_423 : vector<16xf32>
    }
    %while3A_303 = arith.constant 1 : i32
    %while3A_304 = scf.for %while3A_327 = %while3A_300 to %while3A_296 step %while3A_303 iter_args(%while3A_328 = %while3A_302) -> (vector<16xf32>)  : i32 {
      %mul3A_329 = arith.constant 16 : i32
      %mul3A_330 = arith.muli %while3A_327, %mul3A_329 : i32
      %add3A_331 = vector.broadcast %mul3A_330 : i32 to vector<16xi32>
      %add3A_332 = arith.addi %add3A_331, %iota3A : vector<16xi32>
      %jit3A_333 = arith.constant 4 : i32
      %div3A_334 = vector.broadcast %jit3A_333 : i32 to vector<16xi32>
      %div3A_335 = arith.divsi %add3A_332, %div3A_334 : vector<16xi32>
      %sign3A_336 = arith.constant 0 : i32
      %sign3A_337 = vector.broadcast %sign3A_336 : i32 to vector<16xi32>
      %sign3A_338 = arith.cmpi sgt, %add3A_332, %sign3A_337 : vector<16xi32>
      %sign3A_339 = arith.extui %sign3A_338 : vector<16xi1> to vector<16xi32>
      %sign3A_340 = arith.constant 0 : i32
      %sign3A_341 = vector.broadcast %sign3A_340 : i32 to vector<16xi32>
      %sign3A_342 = arith.cmpi slt, %add3A_332, %sign3A_341 : vector<16xi32>
      %sign3A_343 = arith.extui %sign3A_342 : vector<16xi1> to vector<16xi32>
      %sign3A_344 = arith.subi %sign3A_339, %sign3A_343 : vector<16xi32>
      %sign3A_345 = arith.constant 0 : i32
      %sign3A_346 = arith.cmpi sgt, %jit3A_333, %sign3A_345 : i32
      %sign3A_347 = arith.extui %sign3A_346 : i1 to i32
      %sign3A_348 = arith.constant 0 : i32
      %sign3A_349 = arith.cmpi slt, %jit3A_333, %sign3A_348 : i32
      %sign3A_350 = arith.extui %sign3A_349 : i1 to i32
      %sign3A_351 = arith.subi %sign3A_347, %sign3A_350 : i32
      %ne3A_352 = vector.broadcast %sign3A_351 : i32 to vector<16xi32>
      %ne3A_353 = arith.cmpi ne, %sign3A_344, %ne3A_352 : vector<16xi32>
      %rem3A_354 = vector.broadcast %jit3A_333 : i32 to vector<16xi32>
      %rem3A_355 = arith.remsi %add3A_332, %rem3A_354 : vector<16xi32>
      %ne3A_356 = arith.constant 0 : i32
      %ne3A_357 = vector.broadcast %ne3A_356 : i32 to vector<16xi32>
      %ne3A_358 = arith.cmpi ne, %rem3A_355, %ne3A_357 : vector<16xi32>
      %and3A_359 = arith.andi %ne3A_353, %ne3A_358 : vector<16xi1>
      %sub3A_360 = arith.constant 1 : i32
      %sub3A_361 = vector.broadcast %sub3A_360 : i32 to vector<16xi32>
      %sub3A_362 = arith.subi %div3A_335, %sub3A_361 : vector<16xi32>
      %select_n3A_363 = arith.select %and3A_359, %sub3A_362, %div3A_335 : vector<16xi1>, vector<16xi32>
      %jit3A_364 = arith.constant 4 : i32
      %eq3A_365 = arith.constant 0 : i32
      %eq3A_366 = arith.cmpi eq, %jit3A_364, %eq3A_365 : i32
      %jit3A_367 = arith.constant 1 : i32
      %select_n3A_368 = arith.select %eq3A_366, %jit3A_367, %jit3A_364 : i32
      %rem3A_369 = vector.broadcast %select_n3A_368 : i32 to vector<16xi32>
      %rem3A_370 = arith.remsi %add3A_332, %rem3A_369 : vector<16xi32>
      %ne3A_371 = arith.constant 0 : i32
      %ne3A_372 = vector.broadcast %ne3A_371 : i32 to vector<16xi32>
      %ne3A_373 = arith.cmpi ne, %rem3A_370, %ne3A_372 : vector<16xi32>
      %lt3A_374 = arith.constant 0 : i32
      %lt3A_375 = vector.broadcast %lt3A_374 : i32 to vector<16xi32>
      %lt3A_376 = arith.cmpi slt, %rem3A_370, %lt3A_375 : vector<16xi32>
      %lt3A_377 = arith.constant 0 : i32
      %lt3A_378 = arith.cmpi slt, %select_n3A_368, %lt3A_377 : i32
      %ne3A_379 = vector.broadcast %lt3A_378 : i1 to vector<16xi1>
      %ne3A_380 = vector.broadcast %ne3A_379 : vector<16xi1> to vector<16xi1>
      %ne3A_381 = arith.xori %lt3A_376, %ne3A_380 : vector<16xi1>
      %and3A_382 = arith.andi %ne3A_381, %ne3A_373 : vector<16xi1>
      %add3A_383 = vector.broadcast %select_n3A_368 : i32 to vector<16xi32>
      %add3A_384 = arith.addi %rem3A_370, %add3A_383 : vector<16xi32>
      %select_n3A_385 = arith.select %and3A_382, %add3A_384, %rem3A_370 : vector<16xi1>, vector<16xi32>
      %add3A_386 = vector.broadcast %sc_fetch_and_add3A_218 : i32 to vector<16xi32>
      %add3A_387 = arith.addi %add3A_386, %select_n3A_363 : vector<16xi32>
      %min3A_388 = arith.constant 255 : i32
      %min3A_389 = vector.broadcast %min3A_388 : i32 to vector<16xi32>
      %min3A_390 = arith.minsi %add3A_387, %min3A_389 : vector<16xi32>
      %shift_right_arithmetic3A = arith.constant 7 : i32
      %shift_right_arithmetic3A_391 = vector.broadcast %shift_right_arithmetic3A : i32 to vector<16xi32>
      %shift_right_arithmetic3A_392 = arith.shrsi %min3A_390, %shift_right_arithmetic3A_391 : vector<16xi32>
      %shift_left3A = arith.constant 9 : i32
      %shift_left3A_393 = vector.broadcast %shift_left3A : i32 to vector<16xi32>
      %shift_left3A_394 = arith.shli %shift_right_arithmetic3A_392, %shift_left3A_393 : vector<16xi32>
      %mul3A_395 = arith.constant 128 : i32
      %mul3A_396 = vector.broadcast %mul3A_395 : i32 to vector<16xi32>
      %mul3A_397 = arith.muli %select_n3A_385, %mul3A_396 : vector<16xi32>
      %add3A_398 = arith.addi %shift_left3A_394, %mul3A_397 : vector<16xi32>
      %and3A_399 = arith.constant 127 : i32
      %and3A_400 = vector.broadcast %and3A_399 : i32 to vector<16xi32>
      %and3A_401 = arith.andi %min3A_390, %and3A_400 : vector<16xi32>
      %add3A_402 = arith.addi %add3A_398, %and3A_401 : vector<16xi32>
      %gather3A = tpu.vector_load_idx %arg10[%add3A_402] : memref<1024xf32, #tpu.memory_space<vmem>>[vector<16xi32>], vector<16xf32>,
      %mul3A_403 = arith.constant 16 : i32
      %mul3A_404 = arith.muli %while3A_327, %mul3A_403 : i32
      %get3A = arith.index_cast %mul3A_404 : i32 to index
      %get3A_405 = tpu.vector_load %arg9[%get3A] {strides = array<i32>} : memref<2048xf32, #tpu.memory_space<vmem>>, vector<16xf32>,
      %sub3A_406 = arith.subf %gather3A, %get3A_405 : vector<16xf32>
      %abs3A = math.absf %sub3A_406 : vector<16xf32>
      %lt3A_407 = arith.constant 1.000000e+00 : f32
      %lt3A_408 = vector.broadcast %lt3A_407 : f32 to vector<16xf32>
      %lt3A_409 = arith.cmpf olt, %abs3A, %lt3A_408 : vector<16xf32>
      %mul3A_410 = arith.constant 5.000000e-01 : f32
      %mul3A_411 = vector.broadcast %mul3A_410 : f32 to vector<16xf32>
      %mul3A_412 = arith.mulf %mul3A_411, %abs3A : vector<16xf32>
      %mul3A_413 = arith.mulf %mul3A_412, %abs3A : vector<16xf32>
      %sub3A_414 = arith.constant 5.000000e-01 : f32
      %sub3A_415 = vector.broadcast %sub3A_414 : f32 to vector<16xf32>
      %sub3A_416 = arith.subf %abs3A, %sub3A_415 : vector<16xf32>
      %select_n3A_417 = arith.select %lt3A_409, %mul3A_413, %sub3A_416 : vector<16xi1>, vector<16xf32>
      %lt3A_418 = vector.broadcast %mul3A_227 : i32 to vector<16xi32>
      %lt3A_419 = arith.cmpi slt, %add3A_332, %lt3A_418 : vector<16xi32>
      %jit3A_420 = arith.constant 0.000000e+00 : f32
      %broadcast_in_dim3A_421 = vector.broadcast %jit3A_420 : f32 to vector<16xf32>
      %select_n3A_422 = arith.select %lt3A_419, %select_n3A_417, %broadcast_in_dim3A_421 : vector<16xi1>, vector<16xf32>
      %add3A_423 = arith.addf %while3A_328, %select_n3A_422 : vector<16xf32>
      scf.yield %add3A_423 : vector<16xf32>
    }
    %reduce_sum3A = arith.constant true
    %reduce_sum3A_305 = vector.broadcast %reduce_sum3A : i1 to vector<16xi1>
    %reduce_sum3A_306 = tpu.scan <sum>, %while3A_304 masked %reduce_sum3A_305 : vector<16xf32>, vector<16xi1> -> vector<16xf32>
    %reduce_sum3A_307 = vector.extract %reduce_sum3A_306[15] : f32 from vector<16xf32>
    %eq3A_308 = arith.constant 0 : i32
    %eq3A_309 = vector.broadcast %eq3A_308 : i32 to vector<16xi32>
    %eq3A_310 = arith.cmpi eq, %iota3A, %eq3A_309 : vector<16xi32>
    %eq3A_311 = arith.constant 1 : i32
    %eq3A_312 = vector.broadcast %eq3A_311 : i32 to vector<16xi32>
    %eq3A_313 = arith.cmpi eq, %iota3A, %eq3A_312 : vector<16xi32>
    %convert_element_type3A = arith.sitofp %reduce_max3A_158 : i32 to f32
    %jit3A_314 = arith.constant 0.000000e+00 : f32
    %broadcast_in_dim3A_315 = vector.broadcast %convert_element_type3A : f32 to vector<16xf32>
    %broadcast_in_dim3A_316 = vector.broadcast %jit3A_314 : f32 to vector<16xf32>
    %select_n3A_317 = arith.select %eq3A_313, %broadcast_in_dim3A_315, %broadcast_in_dim3A_316 : vector<16xi1>, vector<16xf32>
    %broadcast_in_dim3A_318 = vector.broadcast %reduce_sum3A_307 : f32 to vector<16xf32>
    %select_n3A_319 = arith.select %eq3A_310, %broadcast_in_dim3A_318, %select_n3A_317 : vector<16xi1>, vector<16xf32>
    %swap3A_320 = arith.constant 0 : index
    %swap3A_321 = tpu.vector_load %arg11[%swap3A_320] {strides = array<i32>} : memref<16xf32, #tpu.memory_space<vmem>>, vector<16xf32>,
    tpu.vector_store %arg11[%swap3A_320], %select_n3A_319 {strides = array<i32>} : memref<16xf32, #tpu.memory_space<vmem>>, vector<16xf32>,
    %mul3A_322 = arith.constant 16 : i32
    %mul3A_323 = arith.muli %arg0, %mul3A_322 : i32
    %add3A_324 = arith.addi %mul3A_323, %arg1 : i32
    %mul3A_325 = arith.constant 16 : i32
    %mul3A_326 = arith.muli %add3A_324, %mul3A_325 : i32
    "tpu.region"() ({
      %run_scoped3A = tpu.sem_alloc : memref<!tpu.dma_semaphore, #tpu.memory_space<semaphore_mem>>
      %dma_start3A = tpu.memref_slice %arg5[%mul3A_326] : memref<512xf32, #tpu.memory_space<hbm>> -> memref<16xf32, #tpu.memory_space<hbm>>
      %dma_start3A_327 = tpu.memref_slice %arg5[%mul3A_326] : memref<512xf32, #tpu.memory_space<hbm>> -> memref<16xf32, #tpu.memory_space<hbm>>
      tpu.enqueue_dma source(%arg11 : memref<16xf32, #tpu.memory_space<vmem>>) target(%dma_start3A_327 : memref<16xf32, #tpu.memory_space<hbm>>) target_semaphore(%run_scoped3A : memref<!tpu.dma_semaphore, #tpu.memory_space<semaphore_mem>>)
      %dma_wait3A = tpu.memref_slice %arg5[%mul3A_326] : memref<512xf32, #tpu.memory_space<hbm>> -> memref<16xf32, #tpu.memory_space<hbm>>
      %dma_wait3A_328 = tpu.memref_slice %arg5[%mul3A_326] : memref<512xf32, #tpu.memory_space<hbm>> -> memref<16xf32, #tpu.memory_space<hbm>>
      tpu.wait_dma2 semaphore(%run_scoped3A : memref<!tpu.dma_semaphore, #tpu.memory_space<semaphore_mem>>) src(%arg11 : memref<16xf32, #tpu.memory_space<vmem>>) dst(%dma_wait3A_328 : memref<16xf32, #tpu.memory_space<hbm>>)
      tpu.yield
    }) : () -> ()
    return
  }
}

</mosaic_0001>

<sc_bundles>
// kernel: kernel.3.cloned.1.call-start
scs
__scs_entry_jumppad:
0x0: {  	(pc) =	sbr.rel $0x88, $3  }
0x1: {  	(tag) =	ssettag $0x0;
	lr =	simm.s32 $0x1  }
0x2: {  	[smem:$0x3F9E] =	sst lr;
	_ =	strace $0xD0000000  }
0x3: {  	_ = 	snop  }
0x4: {  	_ = 	snop  }
0x5: {  	_ = 	snop  }
0x6: {  	_ = 	snop  }
0x7: {  	_ = 	snop  }
__scs_overlays_trampoline_lowered:
0x8: {  	[smem:$0x3FAD] =	sst s0  }
0x9: {  	[smem:$0x3FAE] =	sst s1  }
0xa: {  	[smem:$0x3FAF] =	sst s2  }
0xb: {  	[smem:$0x3FB0] =	sst s3  }
0xc: {  	[smem:$0x3FB1] =	sst s4  }
0xd: {  	[smem:$0x3FB2] =	sst s5  }
0xe: {  	[smem:$0x3FB3] =	sst s6  }
0xf: {  	[smem:$0x3FB4] =	sst s7  }
0x10: {  	[smem:$0x3FB5] =	sst s8  }
0x11: {  	[smem:$0x3FB6] =	sst s9;
	s0 =	simm.s32 @!p0 $0x0  }
0x12: {  	s1 =	sld [smem:$0x3F9C];
	s0 =	simm.s32 @p0 $0x1  }
0x13: {  	[smem:$0x3FB7] =	sst s0;
	s0 =	simm.s32 @!p1 $0x0  }
0x14: {  	s2 =	sld [smem:$0x3F9B];
	s0 =	simm.s32 @p1 $0x1  }
0x15: {  	[smem:$0x3FB8] =	sst s0;
	s0 =	simm.s32 @!p2 $0x0  }
0x16: {  	s3 =	sld [smem:$0x3FDB];
	s0 =	simm.s32 @p2 $0x1  }
0x17: {  	s4 =	simm.s32 $0x1BF5;
	[smem:$0x3FBA] =	sst s0  }
0x18: {  	s0 =	sld [smem:$0x3F9D];
	_ =	swait.ge [sflag:s4], $0x0  }
0x19: {  	s7 =	sld [smem:$0x3F9E]  }
0x1a: {  	s8 =	sadd.s32 $0xFFFFE003, lr  }
0x1b: {  	s9 =	sadd.s32 $0xFFFFFEF7, lr;
	s5 =	simm.s32 $0xFFFFFFFF;
	p2 =	slt.u32 s8, $0xFFFFF086  }
0x1c: {  	p1 =	slt.u32 s9, $0xF7A;
	s5 =	simm.s32 @!p2 $0x0  }
0x1d: {  	s5 =	simm.s32 @p1 $0x1;
	p0 =	seq.s32 s7, s2  }
0x1e: {  	s7 =	smul.u32 @!p0 $0xF7A, s2;
	p2 =	seq.s32 @!p0 s5, $0x0  }
0x1f: {  	s9 =	smul.u32 $0xF7A, s1;
	s8 =	simm.s32 @!p0 $0x1BF5;
	p2 =	por !p2, p0  }
0x20: {  	[sflag:s8] =	ssyncset.s32 @!p0 $0xFFFFF086;
	s6 =	sadd.s32 @!p0 s3, s7;
	s7 =	simm.s32 @!p0 $0x108  }
0x21: {  	s3 =	sadd.s32 s3, s9;
	s6 =	sadd.s32 @!p0 $0x88, s6;
	s7 =	simm.s32 @p2 $0x1082  }
0x22: {  	[simem:s7], [sflag:s8] =	dma.local @!p0 [hbm:s6], $0xF7A  }
0x23: {  	s9 =	sor.u32 $0xD0000000, s2;
	s6 =	simm.s32 $0x108;
	_ =	swait.ge @!p0 [sflag:s8], $0x0  }
0x24: {  	s3 =	sadd.s32 $0x88, s3;
	s6 =	simm.s32 @!p1 $0x1082;
	[sflag:s4] =	ssyncset.s32 $0xFFFFF086  }
0x25: {  	[simem:s6], [sflag:s4] =	dma.local [hbm:s3], $0xF7A  }
0x26: {  	[smem:$0x3F9E] =	sst s1;
	(tag) =	ssettag s2;
	_ =	strace s9  }
0x27: {  	s1 =	sld [smem:$0x3FAE]  }
0x28: {  	s2 =	sld [smem:$0x3FAF]  }
0x29: {  	s4 =	sld [smem:$0x3FB1]  }
0x2a: {  	p0 =	seq.s32 s5, $0x0;
	s5 =	sld [smem:$0x3FB2]  }
0x2b: {  	s6 =	sld [smem:$0x3FB3]  }
0x2c: {  	s7 =	sld [smem:$0x3FB4]  }
0x2d: {  	s3 =	simm.s32 $0x108;
	s8 =	sld [smem:$0x3FB5]  }
0x2e: {  	s3 =	simm.s32 @!p0 $0x1082;
	s9 =	sld [smem:$0x3FB6]  }
0x2f: {  	lr =	sadd.s32 s0, s3;
	s0 =	sld [smem:$0x3FAD]  }
0x30: {  	s3 =	sld [smem:$0x3FB0]  }
0x31: {  	[smem:$0x3FB9] =	sst s10  }
0x32: {  	s10 =	sld [smem:$0x3FB7];
	_ =	sdelay $0x3  }
0x33: {  	p0 =	seq.s32 s10, $0x1;
	s10 =	sld [smem:$0x3FB9];
	_ =	sdelay $0x3  }
0x34: {  	[smem:$0x3FB9] =	sst s10  }
0x35: {  	s10 =	sld [smem:$0x3FB8];
	_ =	sdelay $0x3  }
0x36: {  	p1 =	seq.s32 s10, $0x1;
	s10 =	sld [smem:$0x3FB9];
	_ =	sdelay $0x3  }
0x37: {  	[smem:$0x3FB9] =	sst s10  }
0x38: {  	s10 =	sld [smem:$0x3FBA]  }
0x39: {  	_ = 	snop;
	(pc) =	sbr.ind lr, $3  }
0x3a: {  	_ = 	snop  }
0x3b: {  	_ = 	snop  }
0x3c: {  	p2 =	seq.s32 s10, $0x1;
	s10 =	sld [smem:$0x3FB9]  }
0x3d: {  	_ =	shalt  }
0x3e: {  	_ =	shalt  }
0x3f: {  	_ =	shalt  }
0x40: {  	_ =	shalt  }
0x41: {  	_ =	shalt  }
0x42: {  	_ =	shalt  }
0x43: {  	_ =	shalt  }
0x44: {  	_ =	shalt  }
0x45: {  	_ =	shalt  }
0x46: {  	_ =	shalt  }
0x47: {  	_ =	shalt  }
0x48: {  	_ =	shalt  }
0x49: {  	_ =	shalt  }
0x4a: {  	_ =	shalt  }
0x4b: {  	_ =	shalt  }
0x4c: {  	_ =	shalt  }
0x4d: {  	_ =	shalt  }
0x4e: {  	_ =	shalt  }
0x4f: {  	_ =	shalt  }
0x50: {  	_ =	shalt  }
0x51: {  	_ =	shalt  }
0x52: {  	_ =	shalt  }
0x53: {  	_ =	shalt  }
0x54: {  	_ =	shalt  }
0x55: {  	_ =	shalt  }
0x56: {  	_ =	shalt  }
0x57: {  	_ =	shalt  }
0x58: {  	_ =	shalt  }
0x59: {  	_ =	shalt  }
0x5a: {  	_ =	shalt  }
0x5b: {  	_ =	shalt  }
0x5c: {  	_ =	shalt  }
0x5d: {  	_ =	shalt  }
0x5e: {  	_ =	shalt  }
0x5f: {  	_ =	shalt  }
0x60: {  	_ =	shalt  }
0x61: {  	_ =	shalt  }
0x62: {  	_ =	shalt  }
0x63: {  	_ =	shalt  }
0x64: {  	_ =	shalt  }
0x65: {  	_ =	shalt  }
0x66: {  	_ =	shalt  }
0x67: {  	_ =	shalt  }
0x68: {  	_ =	shalt  }
0x69: {  	_ =	shalt  }
0x6a: {  	_ =	shalt  }
0x6b: {  	_ =	shalt  }
0x6c: {  	_ =	shalt  }
0x6d: {  	_ =	shalt  }
0x6e: {  	_ =	shalt  }
0x6f: {  	_ =	shalt  }
0x70: {  	_ =	shalt  }
0x71: {  	_ =	shalt  }
0x72: {  	_ =	shalt  }
0x73: {  	_ =	shalt  }
0x74: {  	_ =	shalt  }
0x75: {  	_ =	shalt  }
0x76: {  	_ =	shalt  }
0x77: {  	_ =	shalt  }
0x78: {  	_ =	shalt  }
0x79: {  	_ =	shalt  }
0x7a: {  	_ =	shalt  }
0x7b: {  	_ =	shalt  }
0x7c: {  	_ =	shalt  }
0x7d: {  	_ =	shalt  }
0x7e: {  	_ =	shalt  }
0x7f: {  	_ =	shalt  }
0x80: {  	_ =	shalt  }
0x81: {  	_ =	shalt  }
0x82: {  	_ =	shalt  }
0x83: {  	_ =	shalt  }
0x84: {  	_ =	shalt  }
0x85: {  	_ =	shalt  }
0x86: {  	_ =	shalt  }
0x87: {  	_ =	shalt  }
.Lfunc_end0:
.L_simem_size_0:
called_computation.1_lowered:
.L_overlay_start_0:
0x88: {  	s2 =	sld [smem:$0x3FD9]  }
0x89: {  	s3 =	sld [smem:$0x3FFE];
	_ =	sdelay $0x1  }
0x8a: {  	s1 =	srdreg.scid  }
0x8b: {  	s0 =	sand.u32 $0x1, s1  }
0x8c: {  	s17 =	sshll.u32 s0, $0xA;
	s2 =	sadd.s32 s3, s2  }
0x8d: {  	s2 =	sadd.s32 s2, s17  }
0x8e: {  	[smem:$0x3FC5] =	sst s2  }
0x8f: {  	_ = 	snop  }
0x90: {  	s2 =	sld [smem:$0x3FC9]  }
0x91: {  	s18 =	sld [smem:$0x3FC8];
	(tm) =	ssettm $0x1  }
0x92: {  	s4 =	sld [smem:$0x3FFB];
	_ =	sdelay $0x3  }
0x93: {  	_ =	strace s4  }
0x94: {  	s4 =	sld [smem:$0x3FFC];
	_ =	sdelay $0x3  }
0x95: {  	_ =	strace s4  }
0x96: {  	s4 =	sld [smem:$0x3FFD];
	_ =	sdelay $0x3  }
0x97: {  	_ =	strace s4  }
0x98: {  	_ =	strace $0x8FFFFFFF  }
0x99: {  	s19 =	sld [smem:$0x3FDB];
	_ =	sdelay $0x1  }
0x9a: {  	s5 =	simm.s32 $_scs_section_size  }
0x9b: {  	s6 =	simm.s32 $_size__tile_overlayer_lowered;
	s7 =	simm.s32 $_tile_overlayer_lowered  }
0x9c: {  	s22 =	simm.s32 $0x1BFF;
	s21 =	sshll.u32 s7, $0x1;
	s4 =	sadd.s32 s5, s19  }
0x9d: {  	s8 =	simm.s32 $0x0;
	s20 =	sshll.u32 s6, $0x1;
	s6 =	sadd.s32 s21, s4  }
0x9e: {  	[timem:s8], [sflag:s22] =	dma.local [hbm:s6], s20  }
0x9f: {  	_ =	swait.ge [sflag:s22], s20  }
0xa0: {  	s5 =	ssub.s32 $0x0, s20;
	[sflag:s22] =	ssyncset.done $0x0  }
0xa1: {  	[sflag:s22] =	ssyncadd.s32 s5;
	_ =	sdelay $0x1  }
0xa2: {  	s23 =	simm.s32 $0x1B8B  }
0xa3: {  	_ =	swait.ge [sflag:s23], $0x1  }
0xa4: {  	[sflag:s23] =	ssyncset.done $0x0  }
0xa5: {  	s25 =	simm.s32 $0x1B8E;
	s24 =	sld [smem:$0x3FFE];
	[sflag:s23] =	ssyncadd.s32 $0xFFFFFFFF  }
0xa6: {  	s26 =	simm.s32 $execute0_lowered;
	[smem:$0x3FD2] =	sst s25  }
0xa7: {  	s6 =	sshll.u32 s26, $0x1;
	_ =	strace $0x80000049;
	[dreg:$0x1] =	wrdreg $0xFFFFFFFF  }
0xa8: {  	s28 =	simm.s32 $_size_execute0_lowered;
	s4 =	sadd.s32 s4, s6;
	[dreg:$0x0] =	wrdreg $0x0  }
0xa9: {  	s6 =	sshll.u32 s28, $0x1;
	[dreg:$0x2] =	wrdreg s4  }
0xaa: {  	[dreg:$0x3] =	wrdreg s6  }
0xab: {  	[dreg:$0x4] =	wrdreg $0xC0  }
0xac: {  	_ =	task [dreg:s8], $0x5FFFF  }
0xad: {  	[dreg:$0x1] =	wrdreg $0xFFFFFFFF  }
0xae: {  	[dreg:$0x0] =	wrdreg $0x60  }
0xaf: {  	[dreg:$0x2] =	wrdreg s18  }
0xb0: {  	[dreg:$0x3] =	wrdreg s2  }
0xb1: {  	[dreg:$0x4] =	wrdreg s24  }
0xb2: {  	[dreg:$0x5] =	wrdreg $0x9  }
0xb3: {  	_ =	task.clear_ibuf [dreg:s8], $0x6FFFF;
	_ =	strace $0x90000049  }
0xb4: {  	s29 =	simm.s32 $0x9;
	_ =	strace $0x8000004B  }
0xb5: {  	_ =	swait.ge [sflag:s29], $0x1  }
0xb6: {  	[sflag:s29] =	ssyncadd.s32 $0xFFFFFFFF  }
0xb7: {  	_ =	strace $0x9000004B  }
0xb8: {  	_ =	sfence  }
0xb9: {  	s30 =	sld [smem:$0x0];
	_ =	sdelay $0x2  }
0xba: {  	s31 =	sshll.u32 s1, $0xD;
	s1 =	sshrl.u32 s1, $0x2  }
0xbb: {  	s3 =	sand.u32 $0x4000, s31;
	s1 =	sadd.s32 s1, s30  }
0xbc: {  	s0 =	sor.u32 s3, s0;
	s1 =	sshll.u32 s1, $0x11  }
0xbd: {  	s0 =	sor.u32 s1, s0  }
0xbe: {  	s0 =	sadd.s32 $0x8F2B, s0  }
0xbf: {  	[sflag:s0] =	ssyncadd.remote.s32 $0x1  }
0xc0: {  	_ =	sfence.sel $0xFFFF  }
0xc1: {  	[dreg:$0x0] =	wrdreg $0xFFFFFFFF;
	(pc) =	sbr.abs _section_cstart, $3  }
0xc2: {  	[dreg:$0x1] =	wrdreg $0xFFFFFFFF  }
0xc3: {  	_ =	task.clear_ibuf [dreg:s8], $0x2FFFF;
	_ =	strace $0x9FFFFFFF  }
0xc4: {  	(tm) =	ssettm $0x7FFFFFFF  }
0xc5: {  	_ =	shalt  }
tec
execute0_lowered:
.L_overlay_start_1:
0x0: {  	(tag) =	ssettag $0x1  }
0x1: {  	s0 =	rddreg [dreg:$0x0]  }
0x2: {  	s1 =	srdreg.scid;
	s6 =	rddreg [dreg:$0x1]  }
0x3: {  	s12 =	stileid.u32;
	s10 =	rddreg [dreg:$0x2];
	s14 =	simm.s32 $0x9  }
0x4: {  	s15 =	simm.s32 $0x11200;
	s16 =	simm.s32 $0x10000;
	s18 =	simm.s32 $0x3  }
0x5: {  	s19 =	simm.s32 $0x4;
	s20 =	simm.s32 $0x5;
	s21 =	simm.s32 $0x6  }
0x6: {  	s22 =	simm.s32 $0x7;
	s23 =	simm.s32 $0x8;
	s24 =	simm.s32 $0x80  }
0x7: {  	s25 =	simm.s32 $0x1;
	s28 =	simm.s32 $0x0;
	s1 =	sand.u32 $0x1, s1  }
0x8: {  	s3 =	sshrl.u32 s12, $0x2;
	s17 =	sand.u32 $0x3, s12;
	s11 =	sand.u32 $0xC, s12  }
0x9: {  	s12 =	sshll.u32 s12, $0x1;
	s2 =	sshll.u32 s1, $0x2;
	s5 =	ssub.s32 $0x2, s1  }
0xa: {  	s1 =	sshll.u32 s1, $0x5;
	s12 =	sadd.s32 s10, s12;
	p0 =	seq.s32 s17, $0x3  }
0xb: {  	p1 =	slt.u32 s17, $0x2;
	p2 =	seq.s32 s17, $0x0;
	s7 =	sor.u32 s3, s2  }
0xc: {  	s2 =	smul.u32 $0xFFC0, s17;
	s3 =	simm.s32 $0x0;
	s9 =	sshrl.u32 s5, $0x1  }
0xd: {  	s12 =	sadd.s32 s1, s12;
	s4 =	smul.u32 $0x3FF00, s7;
	[smem:$0x7FF] =	sst s3  }
0xe: {  	s13 =	ssub.s32 s5, s9;
	s30 =	sshll.u32 s7, $0x7;
	s31 =	smul.u32 $0xFFC00, s7  }
.Ltmp0:
0xf: {  	vm0 =	vcmask $0x1F14;
	vm1 =	vcmask $0xF04;
	v1 =	vlaneseq.u32;
	s7 =	sor.u32 $0x2, s11;
	s9 =	sadd.s32 $0x4, s11;
	(pc) =	sbr.rel .LBB2_1-.Ltmp0, $4  }
0x10: {  	v2 =	vimm.f32 $0.0e+00;
	v3 =	vimm.s32 $0x0;
	vm2 =	vmmov $0x1;
	_ =	strace $0x8000004A;
	s6 =	sadd.s32 s6, s30;
	s8 =	sadd.s32 s2, s4  }
0x11: {  	vm0 =	vmor vm1, vm0;
	vm1 =	vcmask $0x2F24;
	v4 =	vand.u32 $0x3, v1;
	s13 =	smax.u32 s13, $0x1;
	s4 =	sadd.s32 $0x100000, s10;
	s8 =	sshrl.u32 s8, $0x3  }
0x12: {  	vm0 =	vmor vm0, vm1;
	vm1 =	vcmask $0x3F34;
	v4 =	vmul.u32 $0x80, v4;
	s10 =	sadd.s32 $0x5, s11;
	s0 =	sadd.s32 s0, s8;
	s8 =	sor.u32 $0x3, s11  }
0x13: {  	vm0 =	vmor vm0, vm1;
	vm1 =	vcmask $0x704;
	v0 =	vmov s31;
	s11 =	sadd.s32 s17, s7;
	s17 =	simm.s32 $0x2;
	[dreg:$0x4] =	wrdreg s0  }
.LBB2_16:
0x14: {  	v5 =	vimm.f32 $0.0e+00  }
.LBB2_26:
0x15: {  	(xrf2) =	vadd.scan.msk.f32 $0xffff, v5;
	_ =	sdelay $0x8  }
0x16: {  	s0 =	scvt.s32.f32 s29  }
0x17: {  	v5, _, _ =	vpop (xrf2)  }
0x18: {  	v6 =	vmov s0;
	v5 =	vbroadcast v5, $0xF  }
0x19: {  	s28 =	sadd.s32 $0x1, s28;
	v6 =	vnsel vm1, $0x0, v6  }
0x1a: {  	p3 =	sne.s32 s28, s13;
	v5 =	vsel vm2, v5, v6  }
.Ltmp1:
0x1b: {  	s31 =	simm.s32 $0x11600;
	[tilespmem:$0x11600] =	vst v5;
	(pc) =	sbr.rel @!p3 .LBB2_27-.Ltmp1, $4  }
0x1c: {  	[hbm4b:s12+s3] =	stream.linear.scatter [tilespmem:s31], [sflag:$0x9], $0x10, $0x38;
	[tilespmem:$0x11680] =	vst v63  }
0x1d: {  	_ =	swait.ge [sflag:s14], $0x10  }
0x1e: {  	[sflag:s14] =	ssyncset.done $0x0  }
0x1f: {  	[sflag:s14] =	ssyncadd.s32 $0xFFFFFFF0  }
.LBB2_1:
0x20: {  	[smem:$0x0] =	sst s3  }
0x21: {  	s0 =	rddreg [dreg:$0x4]  }
0x22: {  	[smem:$0x1] =	sst s3  }
0x23: {  	[tilespmem:s3], [sflag:$0x9] =	stream.linear.gather [hbm4b:s0+s3], $0xFFC0, $0x38;
	[tilespmem:$0x11680] =	vst v63  }
0x24: {  	[smem:$0x2] =	sst s3  }
0x25: {  	[smem:$0x3] =	sst s3  }
0x26: {  	[smem:$0x4] =	sst s3  }
0x27: {  	[smem:$0x5] =	sst s3  }
0x28: {  	[smem:$0x6] =	sst s3  }
0x29: {  	[smem:$0x7] =	sst s3  }
0x2a: {  	[smem:$0x8] =	sst s3  }
0x2b: {  	[smem:$0x9] =	sst s3  }
0x2c: {  	[smem:$0xA] =	sst s3  }
0x2d: {  	[smem:$0xB] =	sst s3  }
0x2e: {  	[smem:$0xC] =	sst s3  }
0x2f: {  	[smem:$0xD] =	sst s3  }
0x30: {  	[smem:$0xE] =	sst s3  }
0x31: {  	[smem:$0xF] =	sst s3  }
0x32: {  	[smem:$0x10] =	sst s3  }
0x33: {  	[smem:$0x11] =	sst s3  }
0x34: {  	_ =	swait.ge [sflag:s14], $0xFFC0  }
0x35: {  	[sflag:s14] =	ssyncset.done $0x0  }
0x36: {  	v5 =	vmov s2;
	[sflag:s14] =	ssyncadd.s32 $0xFFFF0040  }
0x37: {  	v5 =	vshll.u32 v5, $0x2;
	[tilespmem:s15], [sflag:$0x9] =	stream.linear.gather [hbm4b:s6+s3], $0x400, $0x38;
	[tilespmem:$0x11680] =	vst v63  }
0x38: {  	v6 =	vor.u32 s2, v1;
	v5 =	vand.u32 $0x1FFE00, v5;
	_ =	swait.ge [sflag:s14], $0x400  }
0x39: {  	s26 =	simm.s32 $0x0;
	v6 =	vand.u32 $0x7F, v6;
	v5 =	vadd.s32 v0, v5;
	[sflag:s14] =	ssyncset.done $0x0  }
0x3a: {  	s1 =	smov.u32 s2;
	s0 =	simm.s32 $0x40;
	v5 =	vor.u32 v6, v5;
	[sflag:s14] =	ssyncadd.s32 $0xFFFFFC00  }
.LBB2_2:
0x3b: {  	p3 =	sne.s32 s0, $0x7C0  }
0x3c: {  	[tilespmem:s26+$0x10000] =	vst v5;
	s1 =	sadd.s32 $0x10, s1;
	s26 =	smov.u32 s0;
	s0 =	sadd.s32 $0x40, s0  }
.Ltmp2:
0x3d: {  	v5 =	vmov s1;
	(pc) =	sbr.rel @p3 .LBB2_2-.Ltmp2, $4  }
0x3e: {  	v5 =	vshll.u32 v5, $0x2  }
0x3f: {  	v6 =	vor.u32 s1, v1;
	v5 =	vand.u32 $0x1FFE00, v5  }
0x40: {  	v6 =	vand.u32 $0x7F, v6;
	v5 =	vadd.s32 v0, v5  }
0x41: {  	s26 =	sshra.s32 s26, $0x2;
	v5 =	vor.u32 v6, v5  }
.Ltmp3:
0x42: {  	(pc) =	sbr.rel .LBB2_4-.Ltmp3, $2  }
0x43: {  	_ =	sdelay $0x2  }
0x44: {  	[tilespmem:s26+$0x10000] =	vst v5;
	v5 =	vimm.s32 $0x0;
	s29 =	simm.s32 $0x0;
	s30 =	simm.s32 $0x30  }
.LBB2_6:
0x45: {  	s29 =	sadd.s32 $0x60, s29  }
0x46: {  	p3 =	sne.s32 s29, $0xFFC0  }
.Ltmp4:
0x47: {  	_ = 	snop;
	(pc) =	sbr.rel @!p3 .LBB2_7-.Ltmp4, $2  }
0x48: {  	_ =	sdelay $0x2  }
0x49: {  	s30 =	sadd.s32 $0x60, s30  }
.LBB2_4:
0x4a: {  	v6 =	vld [tilespmem:s30+$0xFFFFFFD0]  }
0x4b: {  	v7 =	vld [tilespmem:s30+$0xFFFFFFE0];
	_ =	sdelay $0x1  }
0x4c: {  	v8 =	vld [tilespmem:s30+$0xFFFFFFF0];
	_ =	sdelay $0x1  }
0x4d: {  	v9 =	vld [tilespmem:s30+$0x0]  }
0x4e: {  	v10 =	vxor.u32 $0x1, v6;
	v7 =	vxor.u32 $0x1, v7  }
0x4f: {  	v11 =	vld [tilespmem:s30+$0x10];
	vm3 =	vlt.s32 v10, v7  }
0x50: {  	v8 =	vxor.u32 $0x1, v8;
	v7 =	vsel vm3, v10, v7  }
0x51: {  	v63 =	vld [tilespmem:s30+$0x20];
	vm3 =	vlt.s32 v7, v8  }
0x52: {  	v7 =	vsel vm3, v7, v8;
	v8 =	vxor.u32 $0x1, v9  }
0x53: {  	vm3 =	vlt.s32 v7, v8  }
0x54: {  	v7 =	vsel vm3, v7, v8;
	v8 =	vxor.u32 $0x1, v11  }
0x55: {  	vm3 =	vlt.s32 v7, v8  }
0x56: {  	v7 =	vsel vm3, v7, v8;
	v8 =	vxor.u32 $0x1, v63  }
0x57: {  	vm3 =	vlt.s32 v7, v8  }
0x58: {  	v7 =	vsel vm3, v7, v8  }
0x59: {  	vm3 =	veq.s32 v7, $0x0  }
0x5a: {  	v7 =	vsel vm3, $0x3F800000, v2  }
0x5b: {  	(xrf0) =	vmax.scan.msk.f32 $0xffff, v7;
	_ =	sdelay $0x5  }
0x5c: {  	v7, _, _ =	vpop (xrf0)  }
0x5d: {  	(v2sf) =	vpush v7, $0xF;
	_ =	sdelay $0xe  }
0x5e: {  	s0 =	spop (v2sf)  }
0x5f: {  	p3 =	sgt.f32 s0, $0.0e+00  }
.Ltmp5:
0x60: {  	_ = 	snop;
	(pc) =	sbr.rel @!p3 .LBB2_6-.Ltmp5, $1  }
0x61: {  	_ =	sdelay $0x3  }
0x62: {  	vm3 =	veq.s32 v6, $0x1  }
0x63: {  	v6 =	vsel vm3, $0x1, v3  }
0x64: {  	(xrf0) =	vadd.scan.msk.s32 $0xffff, v6;
	_ =	sdelay $0x5  }
0x65: {  	v6, _, _ =	vpop (xrf0)  }
0x66: {  	v6 =	vadd.s32 v6, v5  }
0x67: {  	v6 =	vadd.s32 $0xFFFFFFFF, v6  }
0x68: {  	vm4 =	vgt.s32 v6, $0x0  }
0x69: {  	s31 =	sadd.s32 s29, s2;
	v6 =	vnsel vm4, $0x0, v6  }
0x6a: {  	v7 =	vmov s31;
	v6 =	vmin.u32 v6, $0x1FF  }
0x6b: {  	v7 =	vshll.u32 v7, $0x2  }
0x6c: {  	v8 =	vor.u32 s31, v1;
	v7 =	vand.u32 $0x1FFE00, v7  }
0x6d: {  	v8 =	vand.u32 $0x6F, v8;
	v7 =	vadd.s32 v0, v7  }
0x6e: {  	v7 =	vor.u32 v8, v7  }
0x6f: {  	[tilespmem:v6+s16+$0x0] =	vst.idx.msk vm3, v7  }
0x70: {  	v6 =	vld [tilespmem:s30+$0xFFFFFFE0];
	_ =	sdelay $0x4  }
0x71: {  	vm11 =	veq.s32 v6, $0x1  }
0x72: {  	v6 =	vsel vm11, $0x1, v3  }
0x73: {  	(xrf0) =	vadd.scan.msk.s32 $0xffff, v6;
	_ =	sdelay $0x1  }
0x74: {  	v6 =	vmpcnt.ones.xlane vm3;
	_ =	sdelay $0x3  }
0x75: {  	v5 =	vadd.s32 v5, v6;
	v6, _, _ =	vpop (xrf0)  }
0x76: {  	v6 =	vadd.s32 v6, v5  }
0x77: {  	v6 =	vadd.s32 $0xFFFFFFFF, v6  }
0x78: {  	vm3 =	vgt.s32 v6, $0x0  }
0x79: {  	s0 =	sadd.s32 $0x10, s31;
	v6 =	vnsel vm3, $0x0, v6  }
0x7a: {  	v7 =	vmov s0;
	v6 =	vmin.u32 v6, $0x1FF  }
0x7b: {  	v7 =	vshll.u32 v7, $0x2  }
0x7c: {  	v59 =	vor.u32 s0, v1;
	v7 =	vand.u32 $0x7FFFFE00, v7  }
0x7d: {  	v8 =	vand.u32 $0x7F, v59;
	v7 =	vadd.s32 v0, v7  }
0x7e: {  	v7 =	vor.u32 v8, v7  }
0x7f: {  	[tilespmem:v6+s16+$0x0] =	vst.idx.msk vm11, v7  }
0x80: {  	v6 =	vld [tilespmem:s30+$0xFFFFFFF0];
	_ =	sdelay $0x4  }
0x81: {  	vm3 =	veq.s32 v6, $0x1  }
0x82: {  	v6 =	vsel vm3, $0x1, v3  }
0x83: {  	(xrf0) =	vadd.scan.msk.s32 $0xffff, v6;
	_ =	sdelay $0x1  }
0x84: {  	v6 =	vmpcnt.ones.xlane vm11;
	_ =	sdelay $0x3  }
0x85: {  	v5 =	vadd.s32 v5, v6;
	v6, _, _ =	vpop (xrf0)  }
0x86: {  	v6 =	vadd.s32 v6, v5  }
0x87: {  	v6 =	vadd.s32 $0xFFFFFFFF, v6  }
0x88: {  	vm12 =	vgt.s32 v6, $0x0  }
0x89: {  	s1 =	sadd.s32 $0x20, s31;
	v6 =	vnsel vm12, $0x0, v6  }
0x8a: {  	v7 =	vmov s1;
	v6 =	vmin.u32 v6, $0x1FF  }
0x8b: {  	v7 =	vshll.u32 v7, $0x2  }
0x8c: {  	v60 =	vor.u32 s1, v1;
	v7 =	vand.u32 $0x7FFFFE00, v7  }
0x8d: {  	v8 =	vand.u32 $0x6F, v60;
	v7 =	vadd.s32 v0, v7  }
0x8e: {  	v7 =	vor.u32 v8, v7  }
0x8f: {  	[tilespmem:v6+s16+$0x0] =	vst.idx.msk vm3, v7  }
0x90: {  	v6 =	vld [tilespmem:s30+$0x0];
	_ =	sdelay $0x4  }
0x91: {  	vm13 =	veq.s32 v6, $0x1  }
0x92: {  	v6 =	vsel vm13, $0x1, v3  }
0x93: {  	(xrf0) =	vadd.scan.msk.s32 $0xffff, v6;
	_ =	sdelay $0x1  }
0x94: {  	v6 =	vmpcnt.ones.xlane vm3;
	_ =	sdelay $0x3  }
0x95: {  	v5 =	vadd.s32 v5, v6;
	v6, _, _ =	vpop (xrf0)  }
0x96: {  	v6 =	vadd.s32 v6, v5  }
0x97: {  	v6 =	vadd.s32 $0xFFFFFFFF, v6  }
0x98: {  	vm3 =	vgt.s32 v6, $0x0  }
0x99: {  	s5 =	sadd.s32 $0x30, s31;
	v6 =	vnsel vm3, $0x0, v6  }
0x9a: {  	v7 =	vmov s5;
	v6 =	vmin.u32 v6, $0x1FF  }
0x9b: {  	v7 =	vshll.u32 v7, $0x2  }
0x9c: {  	v61 =	vor.u32 s5, v1;
	v7 =	vand.u32 $0x7FFFFE00, v7  }
0x9d: {  	v8 =	vand.u32 $0x7F, v61;
	v7 =	vadd.s32 v0, v7  }
0x9e: {  	v7 =	vor.u32 v8, v7  }
0x9f: {  	[tilespmem:v6+s16+$0x0] =	vst.idx.msk vm13, v7  }
0xa0: {  	v6 =	vld [tilespmem:s30+$0x10];
	_ =	sdelay $0x4  }
0xa1: {  	vm3 =	veq.s32 v6, $0x1  }
0xa2: {  	v6 =	vsel vm3, $0x1, v3  }
0xa3: {  	(xrf0) =	vadd.scan.msk.s32 $0xffff, v6;
	_ =	sdelay $0x1  }
0xa4: {  	v6 =	vmpcnt.ones.xlane vm13;
	_ =	sdelay $0x3  }
0xa5: {  	v5 =	vadd.s32 v5, v6;
	v6, _, _ =	vpop (xrf0)  }
0xa6: {  	v6 =	vadd.s32 v6, v5  }
0xa7: {  	v6 =	vadd.s32 $0xFFFFFFFF, v6  }
0xa8: {  	vm14 =	vgt.s32 v6, $0x0  }
0xa9: {  	s26 =	sadd.s32 $0x40, s31;
	v6 =	vnsel vm14, $0x0, v6  }
0xaa: {  	v7 =	vmov s26;
	v6 =	vmin.u32 v6, $0x1FF  }
0xab: {  	v7 =	vshll.u32 v7, $0x2  }
0xac: {  	v62 =	vor.u32 s26, v1;
	v7 =	vand.u32 $0x7FFFFE00, v7  }
0xad: {  	v8 =	vand.u32 $0x6F, v62;
	v7 =	vadd.s32 v0, v7  }
0xae: {  	v7 =	vor.u32 v8, v7  }
0xaf: {  	[tilespmem:v6+s16+$0x0] =	vst.idx.msk vm3, v7  }
0xb0: {  	v6 =	vld [tilespmem:s30+$0x20];
	_ =	sdelay $0x4  }
0xb1: {  	vm15 =	veq.s32 v6, $0x1  }
0xb2: {  	v6 =	vsel vm15, $0x1, v3  }
0xb3: {  	(xrf0) =	vadd.scan.msk.s32 $0xffff, v6;
	_ =	sdelay $0x1  }
0xb4: {  	v6 =	vmpcnt.ones.xlane vm3;
	_ =	sdelay $0x3  }
0xb5: {  	v5 =	vadd.s32 v5, v6;
	v6, _, _ =	vpop (xrf0)  }
0xb6: {  	v6 =	vadd.s32 v6, v5  }
0xb7: {  	v6 =	vadd.s32 $0xFFFFFFFF, v6  }
0xb8: {  	vm3 =	vgt.s32 v6, $0x0  }
0xb9: {  	s31 =	sadd.s32 $0x50, s31;
	v6 =	vnsel vm3, $0x0, v6  }
0xba: {  	v7 =	vmov s31;
	v6 =	vmin.u32 v6, $0x1FF  }
.Ltmp6:
0xbb: {  	v7 =	vshll.u32 v7, $0x2;
	(pc) =	sbr.rel .LBB2_6-.Ltmp6, $4  }
0xbc: {  	v63 =	vor.u32 s31, v1;
	v7 =	vand.u32 $0x7FFFFE00, v7  }
0xbd: {  	v8 =	vand.u32 $0x7F, v63;
	v7 =	vadd.s32 v0, v7;
	v9 =	vmpcnt.ones.xlane vm15  }
0xbe: {  	v7 =	vor.u32 v8, v7  }
0xbf: {  	v5 =	vadd.s32 v5, v9;
	[tilespmem:v6+s16+$0x0] =	vst.idx.msk vm15, v7  }
.LBB2_7:
0xc0: {  	v5 =	vxor.u32 $0x80000000, v5  }
0xc1: {  	(xrf0) =	vmax.scan.msk.u32 $0xffff, v5;
	_ =	sdelay $0x5  }
0xc2: {  	v5, _, _ =	vpop (xrf0)  }
0xc3: {  	(v2sf) =	vpush v5, $0xF;
	_ =	sdelay $0xd  }
0xc4: {  	[sflag:s17] =	ssyncset.done $0x0  }
0xc5: {  	[smem:s7], [sflag:$0x2] =	smem.add.s32 $0x0;
	s0 =	spop (v2sf)  }
0xc6: {  	_ =	swait.done [sflag:s17]  }
0xc7: {  	s29 =	sxor.u32 $0x80000000, s0;
	[sflag:s17] =	ssyncset.s32 $0x0  }
0xc8: {  	s0 =	smov.u32 s29;
	[sflag:s17] =	ssyncset.done $0x0  }
0xc9: {  	s0 =	simm.s32 @!p2 $0x0;
	[sflag:s18] =	ssyncset.done $0x0  }
0xca: {  	[smem:s8], [sflag:$0x3] =	smem.add.s32 s0  }
0xcb: {  	_ =	swait.done [sflag:s18]  }
0xcc: {  	[sflag:s18] =	ssyncset.s32 $0x0  }
0xcd: {  	s0 =	smov.u32 s29;
	[sflag:s18] =	ssyncset.done $0x0  }
0xce: {  	s0 =	simm.s32 @!p1 $0x0;
	[sflag:s19] =	ssyncset.done $0x0  }
0xcf: {  	[smem:s9], [sflag:$0x4] =	smem.add.s32 s0  }
0xd0: {  	_ =	swait.done [sflag:s19]  }
0xd1: {  	[sflag:s19] =	ssyncset.s32 $0x0  }
0xd2: {  	s0 =	smov.u32 s29;
	[sflag:s19] =	ssyncset.done $0x0  }
0xd3: {  	s0 =	simm.s32 @p0 $0x0;
	[sflag:s20] =	ssyncset.done $0x0  }
0xd4: {  	[smem:s10], [sflag:$0x5] =	smem.add.s32 s0  }
0xd5: {  	_ =	swait.done [sflag:s20]  }
0xd6: {  	[sflag:s20] =	ssyncset.s32 $0x0  }
0xd7: {  	[sflag:s20] =	ssyncset.done $0x0  }
0xd8: {  	[sflag:s21] =	ssyncset.done $0x0  }
0xd9: {  	[smem:s3], [sflag:$0x6] =	smem.add.s32 $0x1  }
0xda: {  	_ =	swait.done [sflag:s21]  }
0xdb: {  	[sflag:s21] =	ssyncset.s32 $0x0  }
0xdc: {  	[sflag:s21] =	ssyncset.done $0x0  }
.LBB2_8:
0xdd: {  	[sflag:s22] =	ssyncset.done $0x0  }
0xde: {  	[smem:s3], [sflag:$0x7] =	smem.add.s32 $0x0  }
0xdf: {  	_ =	swait.done [sflag:s22]  }
0xe0: {  	s0 =	ssyncread [sflag:$0x7];
	_ =	sdelay $0x2  }
0xe1: {  	p3 =	slt.s32 s0, $0x10  }
.Ltmp7:
0xe2: {  	_ = 	snop;
	(pc) =	sbr.rel @p3 .LBB2_8-.Ltmp7, $3  }
0xe3: {  	_ =	sdelay $0x1  }
0xe4: {  	[sflag:s22] =	ssyncset.s32 $0x0  }
0xe5: {  	[sflag:s22] =	ssyncset.done $0x0  }
0xe6: {  	s0 =	simm.s32 $0x0  }
0xe7: {  	v5 =	vmov s0  }
0xe8: {  	vm3 =	veq.s32 v5, v1  }
0xe9: {  	v5 =	vor.u32 s0, v1;
	vm3 =	vmand vm3, vm0  }
0xea: {  	[sflag:s23] =	ssyncset.done $0x0;
	v5 =	vshrl.u32 v5, $0x2;
	v6 =	vsel vm3, $0xFFFFFFFF, v3  }
0xeb: {  	[smem:s11], [sflag:$0x8] =	smem.add.s32 $0x0;
	v5 =	vadd.s32 v6, v5  }
0xec: {  	_ =	swait.done [sflag:s23]  }
0xed: {  	s30 =	ssyncread [sflag:$0x8]  }
0xee: {  	[sflag:s23] =	ssyncset.s32 $0x0  }
0xef: {  	[sflag:s23] =	ssyncset.done $0x0  }
0xf0: {  	s26 =	simm.s32 $0x10;
	v5 =	vld.idx.msk [tilespmem:v5+s16+$0x0], $0xffff  }
0xf1: {  	v6 =	vmov s26  }
0xf2: {  	vm3 =	veq.s32 v6, v1  }
0xf3: {  	v6 =	vor.u32 s26, v1;
	vm3 =	vmand vm3, vm0  }
0xf4: {  	v6 =	vshrl.u32 v6, $0x2;
	v7 =	vsel vm3, $0xFFFFFFFF, v3  }
0xf5: {  	v8 =	vadd.s32 v4, v5;
	v5 =	vadd.s32 v7, v6;
	_ =	sdelay $0x2  }
0xf6: {  	s1 =	simm.s32 $0x20;
	s0 =	simm.s32 $0x10200  }
0xf7: {  	s31 =	simm.s32 $0x30;
	v6 =	vmov s1;
	[tilespmem:s0+$0x0] =	vst v8  }
.LBB2_10:
0xf8: {  	p3 =	sne.s32 s31, $0x7F0;
	vm3 =	veq.s32 v6, v1;
	v6 =	vld.idx.msk [tilespmem:v5+s16+$0x0], $0xffff  }
0xf9: {  	v5 =	vor.u32 s1, v1;
	s1 =	smov.u32 s31;
	vm3 =	vmand vm3, vm0  }
0xfa: {  	v5 =	vshrl.u32 v5, $0x2;
	v7 =	vsel vm3, $0xFFFFFFFF, v3  }
.Ltmp8:
0xfb: {  	v5 =	vadd.s32 v7, v5;
	(pc) =	sbr.rel @p3 .LBB2_10-.Ltmp8, $3  }
0xfc: {  	_ =	sdelay $0x1  }
0xfd: {  	s0 =	sadd.s32 $0x10, s0;
	v7 =	vadd.s32 v4, v6  }
0xfe: {  	s31 =	sadd.s32 $0x10, s31;
	v6 =	vmov s1;
	[tilespmem:s0+$0x0] =	vst v7  }
0xff: {  	_ =	sdelay $0x2  }
0x100: {  	vm3 =	veq.s32 v6, v1;
	v6 =	vor.u32 s1, v1;
	p3 =	slt.s32 s29, $0x200;
	s1 =	smov.u32 s29  }
0x101: {  	v5 =	vld.idx.msk [tilespmem:v5+s16+$0x0], $0xffff;
	vm3 =	vmand vm3, vm0;
	s1 =	simm.s32 @!p3 $0x200  }
0x102: {  	s31 =	sadd.s32 $0x10, s0;
	v6 =	vshrl.u32 v6, $0x2;
	v7 =	vsel vm3, $0xFFFFFFFF, v3;
	s0 =	sshll.u32 s1, $0x2  }
0x103: {  	v6 =	vadd.s32 v7, v6;
	s1 =	sadd.s32 $0x7F, s0  }
0x104: {  	s26 =	sshra.s32 s1, $0x1F  }
0x105: {  	s5 =	sshrl.u32 s26, $0x19  }
0x106: {  	v5 =	vadd.s32 v4, v5;
	s1 =	sadd.s32 s5, s1  }
0x107: {  	[tilespmem:s31+$0x0] =	vst v5;
	s1 =	sshra.s32 s1, $0x7  }
0x108: {  	v5 =	vld.idx.msk [tilespmem:v6+s16+$0x0], $0xffff;
	s26 =	sadd.s32 s26, s1  }
0x109: {  	p3 =	slt.s32 s26, $0x1  }
.Ltmp9:
0x10a: {  	_ = 	snop;
	(pc) =	sbr.rel @p3 .LBB2_15-.Ltmp9, $3  }
0x10b: {  	_ =	sdelay $0x1  }
0x10c: {  	s31 =	sadd.s32 $0x10, s31;
	v5 =	vadd.s32 v4, v5  }
0x10d: {  	[tilespmem:s31+$0x0] =	vst v5  }
0x10e: {  	p3 =	sne.s32 s26, $0x1  }
.Ltmp10:
0x10f: {  	_ = 	snop;
	(pc) =	sbr.rel @!p3 .LBB2_14-.Ltmp10, $4  }
0x110: {  	s1 =	simm.s32 $0x10A00;
	s31 =	simm.s32 $0x10200  }
0x111: {  	[tilespmem:s1], [sflag:$0x1] =	stream.indirect.gather [hbm4b:s4+s24], $0x1, s31, s24, $0xb8;
	[tilespmem:$0x11680] =	vst v63  }
0x112: {  	_ =	swait.ge [sflag:s25], $0x80  }
0x113: {  	s26 =	sadd.s32 $0xFFFFFFFF, s26;
	[sflag:s25] =	ssyncset.done $0x0  }
.LBB2_13:
0x114: {  	[sflag:s25] =	ssyncadd.s32 $0xFFFFFF80  }
0x115: {  	s1 =	sadd.s32 $0x80, s1;
	s31 =	sadd.s32 $0x80, s31;
	p3 =	sne.s32 s26, $0x1  }
.Ltmp11:
0x116: {  	s26 =	sadd.s32 $0xFFFFFFFF, s26;
	(pc) =	sbr.rel @p3 .LBB2_13-.Ltmp11, $4  }
0x117: {  	_ = 	snop  }
0x118: {  	[tilespmem:s1], [sflag:$0x1] =	stream.indirect.gather [hbm4b:s4+s24], $0x1, s31, s24, $0xb8;
	[tilespmem:$0x11680] =	vst v63  }
0x119: {  	_ =	swait.ge [sflag:s25], $0x80  }
0x11a: {  	[sflag:s25] =	ssyncset.done $0x0  }
.LBB2_14:
0x11b: {  	[sflag:s25] =	ssyncadd.s32 $0xFFFFFF80  }
.LBB2_15:
0x11c: {  	s1 =	sadd.s32 $0xF, s0  }
0x11d: {  	s5 =	sshra.s32 s1, $0x1F  }
0x11e: {  	s26 =	sshrl.u32 s5, $0x1C  }
0x11f: {  	s1 =	sadd.s32 s26, s1  }
0x120: {  	s1 =	sshra.s32 s1, $0x4  }
0x121: {  	s1 =	sadd.s32 s5, s1  }
0x122: {  	p3 =	slt.s32 s1, $0x1  }
.Ltmp12:
0x123: {  	_ = 	snop;
	(pc) =	sbr.rel @p3 .LBB2_16-.Ltmp12, $1  }
0x124: {  	_ =	sdelay $0x3  }
0x125: {  	p5 =	sne.s32 s1, $0x1  }
.Ltmp13:
0x126: {  	_ = 	snop;
	(pc) =	sbr.rel @!p5 .LBB2_18-.Ltmp13, $4  }
0x127: {  	_ = 	snop  }
0x128: {  	s5 =	simm.s32 $0x0  }
0x129: {  	v8 =	vmov s30;
	v5 =	vmov s0;
	s30 =	simm.s32 $0x10A00;
	v9 =	vmov s5  }
0x12a: {  	v6 =	vimm.f32 $0.0e+00;
	s0 =	sadd.s32 $0xFFFFFFFF, s1;
	p3 =	por $0x0, $0x0;
	p4 =	por $0x0, $0x0;
	v7 =	vor.u32 s5, v1;
	v13 =	vshra.s32 v9, $0x1F  }
0x12b: {  	v9 =	vshrl.u32 v13, $0x1E  }
0x12c: {  	vm3 =	vgt.s32 v7, $0x0;
	v9 =	vadd.s32 v9, v7  }
0x12d: {  	v10 =	vsel vm3, $0x1, v3;
	v9 =	vshra.s32 v9, $0x2  }
0x12e: {  	v10 =	vadd.s32 v10, v13;
	v12 =	vshll.u32 v9, $0x2  }
0x12f: {  	vm3 =	vne.s32 v10, $0x1;
	vm4 =	vne.s32 v7, v12  }
0x130: {  	p5 =	sne.s32 s0, $0x1;
	vm3 =	vmand vm4, vm3  }
.Ltmp14:
0x131: {  	s1 =	simm.s32 $0x10;
	v9 =	vadd.s32 v8, v9;
	v10 =	vsel vm3, $0xFFFFFFFF, v3;
	(pc) =	sbr.rel @!p5 .LBB2_20-.Ltmp14, $4  }
0x132: {  	v11 =	vor.u32 s1, v1;
	v9 =	vadd.s32 v10, v9  }
0x133: {  	v12 =	vsub.s32 v7, v12;
	v10 =	vmov s1;
	vm3 =	vlt.s32 v9, $0xFF  }
0x134: {  	v13 =	vshra.s32 v10, $0x1F;
	v10 =	vshll.u32 v12, $0x7;
	v9 =	vnsel vm3, $0xFF, v9  }
0x135: {  	s0 =	sadd.s32 $0xFFFFFFFF, s0;
	p3 =	por $0x1, $0x1;
	v16 =	vand.u32 $0x180, v10;
	v15 =	vshll.u32 v9, $0x2;
	v17 =	vand.u32 $0x7F, v9  }
0x136: {  	v9 =	vshrl.u32 v13, $0x1E  }
0x137: {  	vm3 =	vgt.s32 v11, $0x0;
	v9 =	vadd.s32 v9, v11  }
0x138: {  	v12 =	vand.u32 $0xFFFFFE00, v15;
	v10 =	vsel vm3, $0x1, v3;
	v9 =	vshra.s32 v9, $0x2  }
0x139: {  	v14 =	vor.u32 v16, v17;
	v10 =	vadd.s32 v10, v13;
	v13 =	vshll.u32 v9, $0x2  }
0x13a: {  	vm3 =	vne.s32 v10, $0x1;
	v10 =	vor.u32 v12, v14;
	vm4 =	vne.s32 v11, v13  }
0x13b: {  	vm3 =	vmand vm4, vm3  }
0x13c: {  	s1 =	simm.s32 $0x20;
	v9 =	vadd.s32 v8, v9;
	v12 =	vsel vm3, $0xFFFFFFFF, v3  }
0x13d: {  	v14 =	vmov s1;
	v12 =	vadd.s32 v12, v9  }
0x13e: {  	p5 =	sne.s32 s0, $0x1;
	v15 =	vsub.s32 v11, v13;
	v13 =	vshra.s32 v14, $0x1F;
	v14 =	vld [tilespmem:s30+$0x0];
	vm3 =	vlt.s32 v12, $0xFF  }
.Ltmp15:
0x13f: {  	v17 =	vnsel vm3, $0xFF, v12;
	v12 =	vld.idx.msk [tilespmem:v10+s15+$0x0], $0xffff;
	(pc) =	sbr.rel @!p5 .LBB2_22-.Ltmp15, $3  }
0x140: {  	_ =	sdelay $0x1  }
0x141: {  	v9 =	vor.u32 s1, v1;
	v10 =	vshll.u32 v15, $0x7;
	v15 =	vshll.u32 v17, $0x2  }
0x142: {  	s0 =	sadd.s32 $0xFFFFFFFF, s0;
	p4 =	por $0x1, $0x1;
	s31 =	simm.s32 $0x10A00;
	v16 =	vand.u32 $0x180, v10;
	v17 =	vand.u32 $0x7F, v17;
	v10 =	vimm.f32 $0.0e+00  }
.LBB2_23:
0x143: {  	p5 =	sne.s32 s0, $0x1;
	v15 =	vand.u32 $0xFFFFFE00, v15;
	v16 =	vor.u32 v16, v17;
	v12 =	vsub.f32 v12, v14  }
0x144: {  	v14 =	vshrl.u32 v13, $0x1E;
	vm3 =	vgt.s32 v9, $0x0;
	v15 =	vor.u32 v15, v16  }
0x145: {  	v14 =	vadd.s32 v14, v9;
	v16 =	vsel vm3, $0x1, v3;
	v17 =	vand.u32 $0x7FFFFFFF, v12  }
0x146: {  	s1 =	sadd.s32 $0x10, s1;
	v14 =	vshra.s32 v14, $0x2;
	v12 =	vadd.s32 v16, v13;
	v13 =	vmul.f32 $5.000000000e-01, v17  }
0x147: {  	v16 =	vor.u32 s1, v1;
	vm3 =	vne.s32 v12, $0x1;
	v18 =	vshll.u32 v14, $0x2  }
0x148: {  	v19 =	vadd.f32 $-5.000000000e-01, v17;
	vm4 =	vne.s32 v9, v18;
	v13 =	vmul.f32 v13, v17  }
0x149: {  	vm5 =	vlt.s32 v7, v5;
	s31 =	sadd.s32 $0x10, s31;
	v7 =	vmovc v11;
	v11 =	vmovc v9;
	vm3 =	vmand vm4, vm3;
	vm4 =	vlt.f32 v17, $1.000000000e+00;
	v12 =	vld.idx.msk [tilespmem:v15+s15+$0x0], $0xffff  }
.Ltmp16:
0x14a: {  	v9 =	vmovc v16;
	v17 =	vadd.s32 v8, v14;
	v15 =	vsel vm3, $0xFFFFFFFF, v3;
	v14 =	vld [tilespmem:s31+$0x0];
	v13 =	vsel vm4, v13, v19;
	(pc) =	sbr.rel @p5 .LBB2_23-.Ltmp16, $4  }
0x14b: {  	v16 =	vmov s1;
	v15 =	vadd.s32 v15, v17;
	v13 =	vnsel vm5, $0x0, v13  }
0x14c: {  	v17 =	vsub.s32 v11, v18;
	vm3 =	vlt.s32 v15, $0xFF;
	v10 =	vadd.f32 v13, v10  }
0x14d: {  	v13 =	vshra.s32 v16, $0x1F;
	v18 =	vnsel vm3, $0xFF, v15;
	v16 =	vshll.u32 v17, $0x7  }
0x14e: {  	s0 =	sadd.s32 $0xFFFFFFFF, s0;
	v15 =	vshll.u32 v18, $0x2;
	v16 =	vand.u32 $0x180, v16;
	v17 =	vand.u32 $0x7F, v18  }
0x14f: {  	v18 =	vmov v7;
	v7 =	vmov v11  }
.LBB2_25:
0x150: {  	v11 =	vshrl.u32 v13, $0x1E  }
0x151: {  	vm3 =	vgt.s32 v9, $0x0;
	v11 =	vadd.s32 v11, v9  }
0x152: {  	v19 =	vsel vm3, $0x1, v3;
	v11 =	vshra.s32 v11, $0x2  }
0x153: {  	v56 =	vadd.s32 v19, v13;
	v57 =	vshll.u32 v11, $0x2  }
0x154: {  	vm3 =	vne.s32 v56, $0x1;
	vm4 =	vne.s32 v9, v57  }
0x155: {  	v15 =	vand.u32 @p3 $0xFFFFFE00, v15;
	vm3 =	vmand vm4, vm3  }
0x156: {  	v13 =	vor.u32 @p3 v16, v17;
	v8 =	vadd.s32 v8, v11;
	v58 =	vsel vm3, $0xFFFFFFFF, v3  }
0x157: {  	v11 =	vor.u32 @p3 v15, v13;
	v8 =	vadd.s32 v58, v8  }
0x158: {  	v59 =	vsub.s32 v9, v57;
	vm3 =	vlt.s32 v8, $0xFF  }
0x159: {  	v13 =	vshll.u32 v59, $0x7;
	v8 =	vnsel vm3, $0xFF, v8  }
0x15a: {  	v13 =	vand.u32 $0x180, v13;
	v60 =	vshll.u32 v8, $0x2;
	v8 =	vand.u32 $0x7F, v8  }
0x15b: {  	s0 =	sadd.s32 @p4 $0x10, s31;
	s1 =	simm.s32 $0x10A00;
	v15 =	vand.u32 $0xFFFFFE00, v60;
	v8 =	vor.u32 v13, v8  }
0x15c: {  	s1 =	smov.u32 @p4 s0;
	v11 =	vld.idx.msk @p3 [tilespmem:v11+s15+$0x0], $0xffff;
	v8 =	vor.u32 v15, v8  }
0x15d: {  	v13 =	vld @p3 [tilespmem:s1+$0x0]  }
0x15e: {  	v12 =	vsub.f32 @p4 v12, v14;
	s0 =	sadd.s32 @p3 $0x10, s1  }
0x15f: {  	s30 =	smov.u32 @p3 s0  }
0x160: {  	v12 =	vand.u32 @p4 $0x7FFFFFFF, v12;
	v61 =	vld [tilespmem:s30+$0x0]  }
0x161: {  	v14 =	vmul.f32 @p4 $5.000000000e-01, v12;
	v8 =	vld.idx.msk [tilespmem:v8+s15+$0x0], $0xffff  }
0x162: {  	v11 =	vpsel p3, v11, v0;
	v13 =	vpsel p3, v13, v0  }
0x163: {  	v16 =	vadd.f32 @p4 $-5.000000000e-01, v12;
	v14 =	vmul.f32 @p4 v14, v12;
	v11 =	vsub.f32 @p3 v11, v13  }
0x164: {  	vm3 =	vlt.f32 @p4 v12, $1.000000000e+00  }
0x165: {  	vm4 =	vlt.s32 @p4 v18, v5;
	v12 =	vsel @p4 vm3, v14, v16;
	v11 =	vand.u32 @p3 $0x7FFFFFFF, v11  }
0x166: {  	v12 =	vnsel @p4 vm4, $0x0, v12;
	v13 =	vmul.f32 @p3 $5.000000000e-01, v11;
	v8 =	vsub.f32 v8, v61  }
0x167: {  	v10 =	vadd.f32 @p4 v12, v10  }
0x168: {  	v12 =	vmul.f32 @p3 v13, v11;
	v13 =	vadd.f32 @p3 $-5.000000000e-01, v11;
	v8 =	vand.u32 $0x7FFFFFFF, v8  }
0x169: {  	v7 =	vpsel p3, v7, v0;
	vm3 =	vlt.f32 @p3 v11, $1.000000000e+00;
	v62 =	vmul.f32 $5.000000000e-01, v8  }
0x16a: {  	vm4 =	vlt.s32 @p3 v7, v5;
	v10 =	vpsel p4, v10, v6;
	v7 =	vsel @p3 vm3, v12, v13  }
0x16b: {  	v7 =	vnsel @p3 vm4, $0x0, v7;
	v63 =	vadd.f32 $-5.000000000e-01, v8;
	v11 =	vmul.f32 v62, v8  }
.Ltmp17:
0x16c: {  	vm3 =	vlt.f32 v8, $1.000000000e+00;
	v7 =	vadd.f32 @p3 v7, v10;
	(pc) =	sbr.rel .LBB2_26-.Ltmp17, $3  }
0x16d: {  	vm15 =	vlt.s32 v9, v5;
	v5 =	vsel vm3, v11, v63  }
0x16e: {  	v6 =	vpsel p3, v7, v6;
	v5 =	vnsel vm15, $0x0, v5  }
0x16f: {  	v5 =	vadd.f32 v5, v6;
	_ =	sdelay $0x1  }
.LBB2_18:
.Ltmp18:
0x170: {  	(pc) =	sbr.rel .LBB2_25-.Ltmp18, $2  }
0x171: {  	_ =	sdelay $0x2  }
0x172: {  	v9 =	vmov v7;
	s31 =	simm.s32 $0x10A00;
	v10 =	vimm.f32 $0.0e+00  }
.LBB2_20:
.Ltmp19:
0x173: {  	(pc) =	sbr.rel .LBB2_25-.Ltmp19, $2  }
0x174: {  	_ =	sdelay $0x2  }
0x175: {  	v9 =	vmov v11;
	s31 =	simm.s32 $0x10A00;
	v10 =	vimm.f32 $0.0e+00  }
.LBB2_22:
.Ltmp20:
0x176: {  	(pc) =	sbr.rel .LBB2_25-.Ltmp20, $2  }
0x177: {  	_ =	sdelay $0x2  }
0x178: {  	v18 =	vmov v7;
	s31 =	simm.s32 $0x10A00;
	v7 =	vmov v11;
	v10 =	vimm.f32 $0.0e+00  }
.LBB2_27:
0x179: {  	_ =	sfence.sel $0x180000  }
0x17a: {  	[bflag:$0x0] =	sbarrier.arrive $0xFFFF  }
0x17b: {  	_ =	strace $0x9000004A  }
0x17c: {  	s0 =	stileid.u32;
	[bflag:$0x2] =	sbarrier.arrive $0xFFFF  }
0x17d: {  	p0 =	sne.s32 s0, $0x0;
	s0 =	rddreg [dreg:$0x3]  }
0x17e: {  	s0 =	sadd.s32 @!p0 $0x100000, s0  }
0x17f: {  	[sflag:s0] =	ssyncadd.tile.s32 @!p0 $0x1;
	_ =	shalt  }
.Lfunc_end2:
_tile_overlayer_lowered:
.L_overlay_start_2:
0x180: {  	(tag) =	ssettag $0x2  }
0x181: {  	s0 =	rddreg [dreg:$0x0];
	s2 =	stileid.u32  }
0x182: {  	s1 =	rddreg [dreg:$0x1];
	p0 =	sne.s32 s2, $0x0  }
0x183: {  	s3 =	rddreg [dreg:$0x2];
	[bflag:$0x3] =	sbarrier.arrive $0xFFFF;
	s2 =	simm.s32 @!p0 $0x1C02  }
0x184: {  	[timem:s3], [sflag:s2] =	dma.local @!p0 [hbm:s0], s1  }
0x185: {  	s0 =	simm.s32 @!p0 $0x2  }
0x186: {  	_ =	swait.ge @!p0 [sflag:s0], s1  }
0x187: {  	s1 =	ssub.s32 @!p0 $0x0, s1;
	[sflag:s0] =	ssyncset.done @!p0 $0x0  }
0x188: {  	[sflag:s0] =	ssyncadd.s32 @!p0 s1  }
0x189: {  	[bflag:$0x3] =	sbarrier.arrive $0xFFFF  }
0x18a: {  	_ =	shalt  }

// kernel: sparse-core-data-format-call.cloned.1.call-start
scs
called_computation_lowered:
.L_overlay_start_0:
0x0: {  	s1 =	sld [smem:$0x3FD9]  }
0x1: {  	s2 =	sld [smem:$0x3FFE];
	_ =	sdelay $0x1  }
0x2: {  	s3 =	srdreg.scid  }
0x3: {  	s0 =	sand.u32 $0x1, s3  }
0x4: {  	s17 =	sshll.u32 s0, $0xA;
	s1 =	sadd.s32 s2, s1  }
0x5: {  	s1 =	sadd.s32 s1, s17  }
0x6: {  	[smem:$0x3FC5] =	sst s1  }
0x7: {  	_ = 	snop  }
0x8: {  	(tm) =	ssettm $0x1  }
0x9: {  	s18 =	sld [smem:$0x3FFB];
	_ =	sdelay $0x3  }
0xa: {  	_ =	strace s18  }
0xb: {  	s1 =	sld [smem:$0x3FFC];
	_ =	sdelay $0x3  }
0xc: {  	_ =	strace s1  }
0xd: {  	s1 =	sld [smem:$0x3FFD];
	_ =	sdelay $0x3  }
0xe: {  	_ =	strace s1  }
0xf: {  	_ =	strace $0x8FFFFFFF  }
0x10: {  	s19 =	sld [smem:$0x3FDB];
	_ =	sdelay $0x1  }
0x11: {  	s20 =	simm.s32 $_scs_section_size  }
0x12: {  	s4 =	simm.s32 $_size__tile_overlayer_lowered;
	s5 =	simm.s32 $_tile_overlayer_lowered  }
0x13: {  	s23 =	simm.s32 $0x1BFF;
	s22 =	sshll.u32 s5, $0x1;
	s1 =	sadd.s32 s20, s19  }
0x14: {  	s6 =	simm.s32 $0x0;
	s21 =	sshll.u32 s4, $0x1;
	s4 =	sadd.s32 s22, s1  }
0x15: {  	[timem:s6], [sflag:s23] =	dma.local [hbm:s4], s21  }
0x16: {  	_ =	swait.ge [sflag:s23], s21  }
0x17: {  	s2 =	ssub.s32 $0x0, s21;
	[sflag:s23] =	ssyncset.done $0x0  }
0x18: {  	[sflag:s23] =	ssyncadd.s32 s2;
	_ =	sdelay $0x1  }
0x19: {  	s24 =	simm.s32 $0x1B8B  }
0x1a: {  	_ =	swait.ge [sflag:s24], $0x1  }
0x1b: {  	[sflag:s24] =	ssyncset.done $0x0  }
0x1c: {  	s26 =	simm.s32 $0x1B8E;
	s25 =	sld [smem:$0x3FFE];
	[sflag:s24] =	ssyncadd.s32 $0xFFFFFFFF  }
0x1d: {  	s27 =	simm.s32 $execute0_lowered;
	[smem:$0x3FD2] =	sst s26  }
0x1e: {  	s4 =	sshll.u32 s27, $0x1;
	_ =	strace $0x80000046;
	[dreg:$0x1] =	wrdreg $0xFFFFFFFF  }
0x1f: {  	s28 =	simm.s32 $_size_execute0_lowered;
	s1 =	sadd.s32 s1, s4;
	[dreg:$0x0] =	wrdreg $0x0  }
0x20: {  	s4 =	sshll.u32 s28, $0x1;
	[dreg:$0x2] =	wrdreg s1  }
0x21: {  	[dreg:$0x3] =	wrdreg s4  }
0x22: {  	[dreg:$0x4] =	wrdreg $0xC0  }
0x23: {  	_ =	task [dreg:s6], $0x5FFFF  }
0x24: {  	[dreg:$0x1] =	wrdreg $0xFFFFFFFF  }
0x25: {  	[dreg:$0x0] =	wrdreg $0x60  }
0x26: {  	[dreg:$0x2] =	wrdreg s25  }
0x27: {  	[dreg:$0x3] =	wrdreg $0x9  }
0x28: {  	_ =	task.clear_ibuf [dreg:s6], $0x4FFFF;
	_ =	strace $0x90000046  }
0x29: {  	s29 =	simm.s32 $0x9;
	_ =	strace $0x80000048  }
0x2a: {  	_ =	swait.ge [sflag:s29], $0x1  }
0x2b: {  	[sflag:s29] =	ssyncadd.s32 $0xFFFFFFFF  }
0x2c: {  	_ =	strace $0x90000048  }
0x2d: {  	_ =	sfence  }
0x2e: {  	s30 =	sld [smem:$0x0];
	_ =	sdelay $0x2  }
0x2f: {  	s31 =	sshll.u32 s3, $0xD;
	s3 =	sshrl.u32 s3, $0x2  }
0x30: {  	s2 =	sand.u32 $0x4000, s31;
	s1 =	sadd.s32 s3, s30  }
0x31: {  	s0 =	sor.u32 s2, s0;
	s1 =	sshll.u32 s1, $0x11  }
0x32: {  	s0 =	sor.u32 s1, s0  }
0x33: {  	s0 =	sadd.s32 $0x8F2B, s0  }
0x34: {  	[sflag:s0] =	ssyncadd.remote.s32 $0x1  }
0x35: {  	_ =	sfence.sel $0xFFFF  }
0x36: {  	[dreg:$0x0] =	wrdreg $0xFFFFFFFF;
	(pc) =	sbr.abs _section_cstart, $3  }
0x37: {  	[dreg:$0x1] =	wrdreg $0xFFFFFFFF  }
0x38: {  	_ =	task.clear_ibuf [dreg:s6], $0x2FFFF;
	_ =	strace $0x9FFFFFFF  }
0x39: {  	(tm) =	ssettm $0x7FFFFFFF  }
tec
execute0_lowered:
.L_overlay_start_1:
0x0: {  	(tag) =	ssettag $0x1  }
0x1: {  	s2 =	rddreg [dreg:$0x0]  }
0x2: {  	s0 =	rddreg [dreg:$0x1]  }
0x3: {  	s1 =	srdreg.scid;
	_ =	strace $0x80000047;
	s5 =	simm.s32 $0x1  }
0x4: {  	s7 =	simm.s32 $0x2;
	s17 =	simm.s32 $0x0;
	p0 =	por $0x0, $0x0  }
0x5: {  	s8 =	simm.s32 $0x200;
	s16 =	simm.s32 $0x0;
	s18 =	simm.s32 $0x0  }
0x6: {  	s9 =	simm.s32 $0x0;
	s11 =	simm.s32 $0x0;
	s12 =	simm.s32 $0x0  }
.Ltmp0:
0x7: {  	s13 =	simm.s32 $0x0;
	s4 =	sshll.u32 s1, $0x4;
	(pc) =	sbr.rel .LBB1_1-.Ltmp0, $4  }
0x8: {  	s10 =	simm.s32 $0x0;
	s1 =	stileid.u32;
	s4 =	sand.u32 $0x10, s4  }
0x9: {  	s3 =	sadd.s32 $0x100000, s2;
	[sflag:s5] =	ssyncpa.u1 $0x0;
	s6 =	sor.u32 s1, s4  }
0xa: {  	[sflag:s7] =	ssyncpa.u1 $0x0;
	s4 =	sand.u32 $0x7, s1;
	s6 =	sshrl.u32 s6, $0x3  }
0xb: {  	s7 =	simm.s32 $0x80;
	s15 =	smov.u32 s4;
	s14 =	smov.u32 s6  }
.LBB1_5:
0xc: {  	p1 =	slt.u32 s10, $0x2;
	s19 =	smov.u32 s18  }
0xd: {  	p2 =	sgt.s32 @!p1 s18, $0x7;
	s20 =	sshra.s32 @!p1 s18, $0x1F;
	p3 =	sgt.s32 @!p1 s16, $0x3  }
0xe: {  	s21 =	sshra.s32 @!p1 s16, $0x1F;
	p2 =	por !p2, p1;
	s18 =	sand.u32 @!p1 s20, s18  }
0xf: {  	s20 =	smov.u32 s17;
	p3 =	por !p3, p1;
	s19 =	simm.s32 @p2 $0x7  }
0x10: {  	p2 =	sgt.s32 @!p1 s17, $0x77E;
	s18 =	ssub.s32 @!p1 s19, s18;
	s19 =	sshra.s32 @!p1 s17, $0x1F  }
0x11: {  	p2 =	por !p2, p1;
	s17 =	sand.u32 @!p1 s19, s17;
	s19 =	smov.u32 s16  }
0x12: {  	s20 =	simm.s32 @p2 $0x77E;
	s16 =	sand.u32 @!p1 s21, s16;
	s19 =	simm.s32 @p3 $0x3  }
0x13: {  	s18 =	sadd.s32 @!p1 $0xFFFFFFF9, s18;
	s17 =	ssub.s32 @!p1 s20, s17;
	s16 =	ssub.s32 @!p1 s19, s16  }
0x14: {  	p2 =	sgt.s32 @!p1 s18, $0x0;
	s18 =	sshll.u32 @!p1 s18, $0x7;
	s20 =	sadd.s32 @!p1 $0xFFFFFFFD, s16  }
0x15: {  	s19 =	sadd.s32 @!p1 $0xFFFFF882, s17;
	s18 =	ssub.s32 @!p1 $0x80, s18;
	p3 =	sgt.s32 @!p1 s20, $0x0  }
0x16: {  	p2 =	por !p2, p1;
	s16 =	ssub.s32 @!p1 $0x4, s16;
	p3 =	por !p3, p1  }
0x17: {  	s18 =	simm.s32 @!p2 $0x0;
	s16 =	simm.s32 @!p3 $0x0;
	p3 =	sgt.s32 @!p1 s19, $0x7F  }
0x18: {  	s17 =	ssub.s32 @!p1 $0x7FE, s17;
	p2 =	por !p3, p1;
	s16 =	smul.u32 @!p1 s16, s18  }
0x19: {  	s20 =	smov.u32 s14;
	s19 =	sadd.s32 $0x80, s13;
	s17 =	simm.s32 @!p2 $0x0  }
0x1a: {  	p2 =	sgt.s32 s19, $0x7FD;
	s16 =	smul.u32 @!p1 s17, s16;
	s17 =	sadd.s32 $0x4, s14  }
0x1b: {  	s20 =	smov.u32 @p2 s17  }
0x1c: {  	s22 =	smov.u32 s15;
	s17 =	sadd.s32 $0x8, s15;
	p3 =	sgt.s32 s20, $0x3  }
0x1d: {  	s10 =	sadd.s32 $0x1, s10;
	p0 =	por !p0, !p0;
	s22 =	smov.u32 @p3 s17  }
0x1e: {  	s21 =	simm.s32 @!p1 $0x2;
	s19 =	simm.s32 @p2 $0x0;
	p2 =	sgt.s32 s22, $0x7  }
0x1f: {  	s18 =	smov.u32 s12;
	s22 =	smov.u32 @p2 s4;
	p2 =	sne.s32 s10, $0x12  }
.Ltmp1:
0x20: {  	s12 =	smov.u32 s15;
	s16 =	sand.u32 @!p1 $0x3FFFFF80, s16;
	(pc) =	sbr.rel @!p2 .LBB1_6-.Ltmp1, $4  }
0x21: {  	_ =	swait.ge @!p1 [sflag:s21], s16;
	s23 =	ssub.s32 @!p1 $0x0, s16;
	s17 =	smov.u32 s9  }
0x22: {  	s16 =	smov.u32 s11;
	s20 =	smov.u32 @p3 s6;
	s9 =	smov.u32 s13  }
0x23: {  	s11 =	smov.u32 s14;
	s13 =	smov.u32 s19;
	[sflag:s21] =	ssyncset.done @!p1 $0x0  }
0x24: {  	s14 =	smov.u32 s20;
	[sflag:s21] =	ssyncadd.s32 @!p1 s23;
	s15 =	smov.u32 s22  }
.LBB1_1:
0x25: {  	p1 =	sgt.u32 s10, $0xF  }
0x26: {  	s19 =	sxor.u32 @!p1 $0xFFFFFFFF, s10;
	s20 =	sshll.u32 @!p1 s15, $0x11  }
0x27: {  	s21 =	sshll.u32 @!p1 s14, $0xF;
	s22 =	sshll.u32 @!p1 s13, $0x4;
	s20 =	sadd.s32 @!p1 s2, s20  }
0x28: {  	s19 =	sshll.u32 @!p1 s19, $0xE;
	s22 =	sand.u32 @!p1 $0x7FF0, s22;
	s20 =	sadd.s32 @!p1 s21, s20  }
0x29: {  	s19 =	sand.u32 @!p1 $0x4000, s19;
	s21 =	simm.s32 @!p1 $0x0;
	s20 =	sadd.s32 @!p1 s22, s20  }
0x2a: {  	[tilespmem:s19], [sflag:$0x1] =	stream.linear.gather @!p1 [hbm4b:s20+s21], $0x4000, $0x38;
	[tilespmem:$0x10000] =	vst v63  }
0x2b: {  	p1 =	seq.s32 s10, $0x0  }
0x2c: {  	p2 =	seq.s32 @!p1 s10, $0x11  }
0x2d: {  	p1 =	por p1, p2  }
.Ltmp2:
0x2e: {  	_ = 	snop;
	(pc) =	sbr.rel @p1 .LBB1_5-.Ltmp2, $1  }
0x2f: {  	_ =	sdelay $0x3  }
0x30: {  	s19 =	simm.s32 $0x1  }
0x31: {  	s19 =	simm.s32 @!p0 $0x0  }
0x32: {  	s19 =	sshll.u32 s19, $0xE  }
0x33: {  	s20 =	sor.u32 $0x40, s19  }
0x34: {  	v1 =	vmov s20;
	_ =	sdelay $0x1  }
0x35: {  	_ =	swait.ge [sflag:s5], $0x4000  }
0x36: {  	[sflag:s5] =	ssyncset.done $0x0  }
0x37: {  	s21 =	simm.s32 $0x0;
	[sflag:s5] =	ssyncadd.s32 $0xFFFFC000  }
0x38: {  	s19 =	sor.u32 $0x8070, s19;
	v4 =	vld.idx.msk [tilespmem:v1+s21+$0x30 ss:$0x1], $0xffff  }
0x39: {  	v0 =	vmov s19;
	v8 =	vld.idx.msk [tilespmem:v1+s21+$0xFFFFFFC0 ss:$0x1], $0xffff  }
0x3a: {  	v7 =	vld.idx.msk [tilespmem:v1+s21+$0xFFFFFFD0 ss:$0x1], $0xffff  }
0x3b: {  	v6 =	vld.idx.msk [tilespmem:v1+s21+$0xFFFFFFE0 ss:$0x1], $0xffff  }
0x3c: {  	v5 =	vld.idx.msk [tilespmem:v1+s21+$0xFFFFFFF0 ss:$0x1], $0xffff  }
0x3d: {  	s31 =	sshll.u32 s10, $0xE;
	v3 =	vld.idx.msk [tilespmem:v1+s21+$0x0 ss:$0x1], $0xffff  }
0x3e: {  	s19 =	sand.u32 $0x4000, s31;
	v2 =	vld.idx.msk [tilespmem:v1+s21+$0x10 ss:$0x1], $0xffff;
	[tilespmem:v0+s21+$0x0 ss:$0x1] =	vst.idx.msk $0xffff, v4  }
0x3f: {  	s22 =	simm.s32 $0x400;
	s20 =	simm.s32 $0x80;
	s19 =	sor.u32 $0x8000, s19;
	[tilespmem:v0+s21+$0xFFFFFF90 ss:$0x1] =	vst.idx.msk $0xffff, v8;
	v4 =	vld.idx.msk [tilespmem:v1+s21+$0x20 ss:$0x1], $0xffff  }
.LBB1_3:
0x40: {  	p1 =	sne.s32 s22, $0xFE00;
	v8 =	vld.idx.msk [tilespmem:v1+s20+$0x30 ss:$0x1], $0xffff;
	[tilespmem:v0+s21+$0xFFFFFFA0 ss:$0x1] =	vst.idx.msk $0xffff, v7  }
0x41: {  	v9 =	vld.idx.msk [tilespmem:v1+s20+$0xFFFFFFC0 ss:$0x1], $0xffff;
	[tilespmem:v0+s21+$0xFFFFFFB0 ss:$0x1] =	vst.idx.msk $0xffff, v6  }
0x42: {  	v7 =	vld.idx.msk [tilespmem:v1+s20+$0xFFFFFFD0 ss:$0x1], $0xffff;
	[tilespmem:v0+s21+$0xFFFFFFC0 ss:$0x1] =	vst.idx.msk $0xffff, v5  }
.Ltmp3:
0x43: {  	v6 =	vld.idx.msk [tilespmem:v1+s20+$0xFFFFFFE0 ss:$0x1], $0xffff;
	[tilespmem:v0+s21+$0xFFFFFFD0 ss:$0x1] =	vst.idx.msk $0xffff, v3;
	(pc) =	sbr.rel @p1 .LBB1_3-.Ltmp3, $4  }
0x44: {  	v5 =	vld.idx.msk [tilespmem:v1+s20+$0xFFFFFFF0 ss:$0x1], $0xffff;
	[tilespmem:v0+s21+$0xFFFFFFE0 ss:$0x1] =	vst.idx.msk $0xffff, v2  }
0x45: {  	v3 =	vld.idx.msk [tilespmem:v1+s20+$0x0 ss:$0x1], $0xffff;
	[tilespmem:v0+s21+$0xFFFFFFF0 ss:$0x1] =	vst.idx.msk $0xffff, v4;
	s21 =	smov.u32 s20  }
0x46: {  	v2 =	vld.idx.msk [tilespmem:v1+s21+$0x10 ss:$0x1], $0xffff;
	[tilespmem:v0+s21+$0x0 ss:$0x1] =	vst.idx.msk $0xffff, v8  }
0x47: {  	s20 =	sshra.s32 s22, $0x2;
	s22 =	sadd.s32 $0x200, s22;
	[tilespmem:v0+s21+$0xFFFFFF90 ss:$0x1] =	vst.idx.msk $0xffff, v9;
	v4 =	vld.idx.msk [tilespmem:v1+s21+$0x20 ss:$0x1], $0xffff  }
0x48: {  	_ =	sdelay $0x2  }
0x49: {  	p1 =	sgt.s32 s12, $0x7;
	s22 =	smov.u32 s12  }
0x4a: {  	s23 =	sshra.s32 s12, $0x1F;
	[tilespmem:v0+s21+$0xFFFFFFA0 ss:$0x1] =	vst.idx.msk $0xffff, v7;
	s24 =	sshra.s32 s11, $0x1F;
	p2 =	sgt.s32 s9, $0x77E  }
0x4b: {  	v56 =	vld.idx.msk [tilespmem:v1+s20+$0x30 ss:$0x1], $0xffff;
	[tilespmem:v0+s21+$0xFFFFFFB0 ss:$0x1] =	vst.idx.msk $0xffff, v6;
	s25 =	smov.u32 s9;
	s29 =	sshra.s32 s9, $0x1F;
	s26 =	smul.u32 $0x1FF80, s12  }
0x4c: {  	v57 =	vld.idx.msk [tilespmem:v1+s20+$0xFFFFFFC0 ss:$0x1], $0xffff;
	s22 =	simm.s32 @!p1 $0x7;
	s23 =	sand.u32 s23, s12;
	p1 =	sgt.s32 s11, $0x3;
	[tilespmem:v0+s21+$0xFFFFFFC0 ss:$0x1] =	vst.idx.msk $0xffff, v5  }
0x4d: {  	v58 =	vld.idx.msk [tilespmem:v1+s20+$0xFFFFFFD0 ss:$0x1], $0xffff;
	s24 =	sand.u32 s24, s11;
	s22 =	ssub.s32 s22, s23;
	s23 =	smov.u32 s11;
	[tilespmem:v0+s21+$0xFFFFFFD0 ss:$0x1] =	vst.idx.msk $0xffff, v3  }
0x4e: {  	v59 =	vld.idx.msk [tilespmem:v1+s20+$0xFFFFFFE0 ss:$0x1], $0xffff;
	s25 =	simm.s32 @!p2 $0x77E;
	s22 =	sadd.s32 $0xFFFFFFF9, s22;
	s23 =	simm.s32 @!p1 $0x3;
	[tilespmem:v0+s21+$0xFFFFFFE0 ss:$0x1] =	vst.idx.msk $0xffff, v2  }
0x4f: {  	v60 =	vld.idx.msk [tilespmem:v1+s20+$0xFFFFFFF0 ss:$0x1], $0xffff;
	s23 =	ssub.s32 s23, s24;
	p1 =	sgt.s32 s22, $0x0;
	s24 =	sand.u32 s29, s9;
	[tilespmem:v0+s21+$0xFFFFFFF0 ss:$0x1] =	vst.idx.msk $0xffff, v4  }
0x50: {  	v61 =	vld.idx.msk [tilespmem:v1+s20+$0x0 ss:$0x1], $0xffff;
	s22 =	sshll.u32 s22, $0x7;
	s30 =	ssub.s32 s25, s24;
	s31 =	sadd.s32 $0xFFFFFFFD, s23;
	[tilespmem:v0+s20+$0x0 ss:$0x1] =	vst.idx.msk $0xffff, v56  }
0x51: {  	v62 =	vld.idx.msk [tilespmem:v1+s20+$0x10 ss:$0x1], $0xffff;
	s23 =	ssub.s32 $0x4, s23;
	s22 =	ssub.s32 $0x80, s22;
	[tilespmem:v0+s20+$0xFFFFFF90 ss:$0x1] =	vst.idx.msk $0xffff, v57;
	p2 =	sgt.s32 s31, $0x0  }
0x52: {  	v63 =	vld.idx.msk [tilespmem:v1+s20+$0x20 ss:$0x1], $0xffff;
	[tilespmem:v0+s20+$0xFFFFFFA0 ss:$0x1] =	vst.idx.msk $0xffff, v58;
	s25 =	sadd.s32 $0xFFFFF882, s30;
	s22 =	simm.s32 @p1 $0x0;
	s23 =	simm.s32 @p2 $0x0  }
0x53: {  	[tilespmem:v0+s20+$0xFFFFFFB0 ss:$0x1] =	vst.idx.msk $0xffff, v59;
	s21 =	ssub.s32 $0x7FE, s30;
	p1 =	sgt.s32 s25, $0x7F;
	s22 =	smul.u32 s23, s22  }
.Ltmp4:
0x54: {  	s27 =	sshll.u32 s9, $0x6;
	[tilespmem:v0+s20+$0xFFFFFFC0 ss:$0x1] =	vst.idx.msk $0xffff, v60;
	s21 =	simm.s32 @p1 $0x0;
	(pc) =	sbr.rel .LBB1_5-.Ltmp4, $4  }
0x55: {  	s28 =	sshll.u32 s11, $0x4;
	[tilespmem:v0+s20+$0xFFFFFFD0 ss:$0x1] =	vst.idx.msk $0xffff, v61;
	s23 =	sadd.s32 s3, s26;
	s21 =	smul.u32 s21, s22  }
0x56: {  	s29 =	sand.u32 $0x30, s28;
	[tilespmem:v0+s20+$0xFFFFFFE0 ss:$0x1] =	vst.idx.msk $0xffff, v62;
	s22 =	sadd.s32 s27, s23  }
0x57: {  	[tilespmem:v0+s20+$0xFFFFFFF0 ss:$0x1] =	vst.idx.msk $0xffff, v63;
	s31 =	sadd.s32 s29, s22;
	s30 =	sand.u32 $0x3FFFFF80, s21  }
0x58: {  	[hbm4b:s31+s7] =	stream.strided.scatter [tilespmem:s19], [sflag:$0x2], s30, s8, s7, $0x38;
	[tilespmem:$0x10000] =	vst v63  }
.LBB1_6:
0x59: {  	_ =	sfence.sel $0x180000  }
0x5a: {  	s2 =	simm.s32 $0x1;
	[bflag:$0x0] =	sbarrier.arrive $0xFFFF  }
0x5b: {  	s31 =	simm.s32 $0x2;
	[sflag:s2] =	ssyncpa.u1 $0x1  }
0x5c: {  	[sflag:s31] =	ssyncpa.u1 $0x1  }
0x5d: {  	p0 =	sne.s32 s1, $0x0;
	_ =	strace $0x90000047  }
0x5e: {  	s0 =	sadd.s32 @!p0 $0x100000, s0;
	[bflag:$0x2] =	sbarrier.arrive $0xFFFF  }
0x5f: {  	[sflag:s0] =	ssyncadd.tile.s32 @!p0 $0x1;
	_ =	shalt  }
.Lfunc_end1:
_tile_overlayer_lowered:
.L_overlay_start_2:
0x60: {  	(tag) =	ssettag $0x2  }
0x61: {  	s0 =	rddreg [dreg:$0x0];
	s2 =	stileid.u32  }
0x62: {  	s1 =	rddreg [dreg:$0x1];
	p0 =	sne.s32 s2, $0x0  }
0x63: {  	s3 =	rddreg [dreg:$0x2];
	[bflag:$0x3] =	sbarrier.arrive $0xFFFF;
	s2 =	simm.s32 @!p0 $0x1C01  }
0x64: {  	[timem:s3], [sflag:s2] =	dma.local @!p0 [hbm:s0], s1  }
0x65: {  	s0 =	simm.s32 @!p0 $0x1  }
0x66: {  	_ =	swait.ge @!p0 [sflag:s0], s1  }
0x67: {  	s1 =	ssub.s32 @!p0 $0x0, s1;
	[sflag:s0] =	ssyncset.done @!p0 $0x0  }
0x68: {  	[sflag:s0] =	ssyncadd.s32 @!p0 s1  }
0x69: {  	[bflag:$0x3] =	sbarrier.arrive $0xFFFF  }
0x6a: {  	_ =	shalt  }

</sc_bundles>
